<compile_context>
chip_gen: v7x
topology: tpu7x:2x2x1
jax: 0.10.2.dev20260603
libtpu: 0.0.44.dev20260713+nightly
codegen_flags: <defaults>
</compile_context>

<pallas_src>
import functools

import jax
import jax.numpy as jnp
from jax import lax
from jax.experimental import pallas as pl
from jax.experimental.pallas import tpu as pltpu
from jax.experimental.pallas import tpu_sc as plsc

NC = 2
NS = 16
NW = NC * NS

CH = 80


def _mesh():
    return plsc.VectorSubcoreMesh(
        core_axis_name="c", subcore_axis_name="s", num_cores=NC, num_subcores=NS
    )


def _fill_f32(ref, n, value):
    v = jnp.full((16,), value, dtype=jnp.float32)

    def body(i, _):
        ref[pl.ds(i * 16, 16)] = v
        return 0

    lax.fori_loop(0, n // 16, body, 0)


def _deg_call(dst_flat, n_pad, nch):
    npt = n_pad // NS

    @functools.partial(
        pl.kernel,
        mesh=_mesh(),
        out_type=jax.ShapeDtypeStruct((NC * n_pad,), jnp.float32),
        scratch_types=[
            pltpu.VMEM((CH,), jnp.int32),
            pltpu.VMEM((CH,), jnp.int32),
            pltpu.VMEM((CH,), jnp.float32),
            pltpu.VMEM((npt,), jnp.float32),
            pltpu.VMEM_SHARED((n_pad,), jnp.float32),
            pltpu.SemaphoreType.DMA,
        ],
    )
    def deg_kernel(dst_hbm, deg_out, idx_a, idx_b, ones_v, zrow_v, deg_sh,
                   sem):
        cid = lax.axis_index("c")
        sid = lax.axis_index("s")
        wid = cid * NS + sid

        _fill_f32(ones_v, CH, 1.0)
        _fill_f32(zrow_v, npt, 0.0)
        pltpu.sync_copy(zrow_v, deg_sh.at[pl.ds(sid * npt, npt)])
        plsc.subcore_barrier()

        ew = nch * CH
        base = wid * ew

        pltpu.sync_copy(dst_hbm.at[pl.ds(pl.multiple_of(base, 8), CH)], idx_a)

        def body(m, _):
            c = 2 * m
            db = pltpu.async_copy(
                dst_hbm.at[pl.ds(pl.multiple_of(base + (c + 1) * CH, 8), CH)],
                idx_b, sem)
            pltpu.sync_copy(ones_v, deg_sh.at[idx_a], add=True)
            db.wait()
            da = pltpu.async_copy(
                dst_hbm.at[pl.ds(pl.multiple_of(base + (c + 2) * CH, 8), CH)],
                idx_a, sem)
            pltpu.sync_copy(ones_v, deg_sh.at[idx_b], add=True)
            da.wait()
            return 0

        lax.fori_loop(0, (nch - 1) // 2, body, 0)
        pltpu.sync_copy(ones_v, deg_sh.at[idx_a], add=True)

        plsc.subcore_barrier()
        out_off = pl.multiple_of(cid * n_pad + sid * npt, 128)
        pltpu.sync_copy(
            deg_sh.at[pl.ds(sid * npt, npt)],
            deg_out.at[pl.ds(out_off, npt)],
        )

    return deg_kernel(dst_flat)


def _agg_call(epk, g, n_pad, d, nch):
    npt = n_pad // NS

    @functools.partial(
        pl.kernel,
        mesh=_mesh(),
        out_type=jax.ShapeDtypeStruct((NC, n_pad, d), jnp.float32),
        scratch_types=[
            pltpu.VMEM((CH,), jnp.int32),
            pltpu.VMEM((CH,), jnp.int32),
            pltpu.VMEM((CH,), jnp.int32),
            pltpu.VMEM((CH,), jnp.int32),
            pltpu.VMEM((CH,), jnp.int32),
            pltpu.VMEM((CH, d), jnp.float32),
            pltpu.VMEM((CH, d), jnp.float32),
            pltpu.VMEM_SHARED((n_pad, d), jnp.float32),
            pltpu.SemaphoreType.DMA,
            pltpu.SemaphoreType.DMA,
        ],
    )
    def agg_kernel(epk_hbm, g_hbm, acc_out,
                   pidx, sidx_a, didx_a, sidx_b, didx_b,
                   rows_a, rows_b, acc_sh, sem_a, sem_b):
        cid = lax.axis_index("c")
        sid = lax.axis_index("s")
        wid = cid * NS + sid
        ew = nch * CH
        base = wid * ew

        def load_unpack(c, s_ref, d_ref):
            off = pl.multiple_of(base + c * CH, 8)
            pltpu.sync_copy(epk_hbm.at[pl.ds(off, CH)], pidx)
            for i in range(CH // 16):
                v = pidx[pl.ds(i * 16, 16)]
                s_ref[pl.ds(i * 16, 16)] = jnp.right_shift(v, 16)
                d_ref[pl.ds(i * 16, 16)] = jnp.bitwise_and(v, 0xFFFF)

        zv = jnp.zeros((16,), dtype=jnp.float32)

        def zrow(i, _):
            def zcol(jj, _):
                rows_a[i, pl.ds(jj * 16, 16)] = zv
                return 0
            lax.fori_loop(0, d // 16, zcol, 0)
            return 0

        lax.fori_loop(0, CH, zrow, 0)

        def zslab(t, _):
            pltpu.sync_copy(
                rows_a, acc_sh.at[pl.ds(sid * npt + t * CH, CH)])
            return 0

        lax.fori_loop(0, npt // CH, zslab, 0)
        plsc.subcore_barrier()

        load_unpack(0, sidx_a, didx_a)
        pltpu.async_copy(g_hbm.at[sidx_a], rows_a, sem_a).wait()

        def body(m, _):
            c = 2 * m
            load_unpack(c + 1, sidx_b, didx_b)
            db = pltpu.async_copy(g_hbm.at[sidx_b], rows_b, sem_b)
            pltpu.sync_copy(rows_a, acc_sh.at[didx_a], add=True)
            db.wait()
            load_unpack(c + 2, sidx_a, didx_a)
            da = pltpu.async_copy(g_hbm.at[sidx_a], rows_a, sem_a)
            pltpu.sync_copy(rows_b, acc_sh.at[didx_b], add=True)
            da.wait()
            return 0

        lax.fori_loop(0, (nch - 1) // 2, body, 0)
        pltpu.sync_copy(rows_a, acc_sh.at[didx_a], add=True)

        plsc.subcore_barrier()
        pltpu.sync_copy(
            acc_sh.at[pl.ds(sid * npt, npt)],
            acc_out.at[cid, pl.ds(sid * npt, npt)],
        )

    return agg_kernel(epk, g)


def _prep_kernel(x_ref, w_ref, degt_ref, b_ref, ei_ref,
                 g_ref, base_ref, dis_ref, epk_ref):
    deg = degt_ref[:, 0:1] + degt_ref[:, 1:2] + 1.0
    h = jnp.dot(x_ref[...], w_ref[...], preferred_element_type=jnp.float32)
    dis = lax.rsqrt(deg)
    g_ref[...] = h * dis
    base_ref[...] = h / deg + b_ref[...]
    dis_ref[...] = dis
    epk_ref[...] = jnp.left_shift(ei_ref[0:1, :], 16) | ei_ref[1:2, :]


def _final_kernel(a0_ref, a1_ref, dis_ref, base_ref, out_ref):
    out_ref[...] = (a0_ref[...] + a1_ref[...]) * dis_ref[...] + base_ref[...]


def kernel(x, edge_index, W, b):
    n, d_in = x.shape
    d_out = W.shape[1]
    e = edge_index.shape[1]
    ew = e // NW
    nch = ew // CH
    dst = edge_index[1]

    align = NS * 128
    n_pad = ((n + align - 1) // align) * align
    deg_flat = _deg_call(dst, n_pad, nch)
    degt = jnp.transpose(deg_flat.reshape(NC, n_pad))

    rows = 2000
    eb = e // (n // rows)
    grid = (n // rows,)
    g, base, dis, epk2 = pl.pallas_call(
        _prep_kernel,
        grid=grid,
        in_specs=[
            pl.BlockSpec((rows, d_in), lambda i: (i, 0)),
            pl.BlockSpec((d_in, d_out), lambda i: (0, 0)),
            pl.BlockSpec((rows, 2), lambda i: (i, 0)),
            pl.BlockSpec((1, d_out), lambda i: (0, 0)),
            pl.BlockSpec((2, eb), lambda i: (0, i)),
        ],
        out_specs=[
            pl.BlockSpec((rows, d_out), lambda i: (i, 0)),
            pl.BlockSpec((rows, d_out), lambda i: (i, 0)),
            pl.BlockSpec((rows, 1), lambda i: (i, 0)),
            pl.BlockSpec((1, eb), lambda i: (0, i)),
        ],
        out_shape=[
            jax.ShapeDtypeStruct((n, d_out), jnp.float32),
            jax.ShapeDtypeStruct((n, d_out), jnp.float32),
            jax.ShapeDtypeStruct((n, 1), jnp.float32),
            jax.ShapeDtypeStruct((1, e), jnp.int32),
        ],
    )(x, W, degt, b.reshape(1, d_out), edge_index)

    acc_parts = _agg_call(epk2.reshape(e), g, n_pad, d_out, nch)

    out = pl.pallas_call(
        _final_kernel,
        grid=grid,
        in_specs=[
            pl.BlockSpec((rows, d_out), lambda i: (i, 0)),
            pl.BlockSpec((rows, d_out), lambda i: (i, 0)),
            pl.BlockSpec((rows, 1), lambda i: (i, 0)),
            pl.BlockSpec((rows, d_out), lambda i: (i, 0)),
        ],
        out_specs=pl.BlockSpec((rows, d_out), lambda i: (i, 0)),
        out_shape=jax.ShapeDtypeStruct((n, d_out), jnp.float32),
    )(acc_parts[0], acc_parts[1], dis, base)

    return out

# --- scband reference (transcript-rebuilt; emitter-appended) ---
"""Pipeline reference for scband-graph-gcn-76467597738355 (READ-ONLY COPY).

The authoritative reference and input builder live on the scoring server;
editing this copy changes nothing except your own understanding.
"""

import jax, jax.numpy as jnp
import numpy as np

N = 10000
E = 320000
D_IN = 128
D_OUT = 128


def setup_inputs(seed: int = 0) -> dict:
    key = jax.random.key(seed)
    k1, k2, k3 = jax.random.split(key, 3)
    x = jax.random.normal(k1, (N, D_IN), dtype=jnp.float32)
    edge_index = jax.random.randint(k2, (2, E), 0, N, dtype=jnp.int32)
    # GCNConv: lin = Linear(in_channels, out_channels, bias=False), plus separate bias param
    W = jax.random.normal(k3, (D_IN, D_OUT), dtype=jnp.float32) * (1.0 / np.sqrt(D_IN))
    b = jnp.zeros((D_OUT,), dtype=jnp.float32)
    return {"x": x, "edge_index": edge_index, "W": W, "b": b}


def reference(x, edge_index, W, b):
    # Faithful GCNConv(normalize=True, add_self_loops=True) forward:
    # 1) add self-loops, 2) symmetric gcn_norm, 3) x @ W, 4) scatter-add aggregate, 5) + bias
    n = x.shape[0]
    src = edge_index[0]
    dst = edge_index[1]
    loop = jnp.arange(n, dtype=edge_index.dtype)
    src = jnp.concatenate([src, loop])
    dst = jnp.concatenate([dst, loop])
    ew = jnp.ones(src.shape[0], dtype=x.dtype)
    deg = jnp.zeros((n,), dtype=x.dtype).at[dst].add(ew)
    deg_inv_sqrt = jnp.where(deg > 0, deg ** -0.5, 0.0)
    norm = deg_inv_sqrt[src] * deg_inv_sqrt[dst] * ew
    h = x @ W
    msg = jnp.take(h, src, axis=0) * norm[:, None]
    out = jnp.zeros((n, h.shape[1]), dtype=x.dtype).at[dst].add(msg)
    return out + b

if __name__ == "__main__":
    import jax
    _d = setup_inputs()
    print(jax.jit(kernel)(*tuple(_d.values())))

</pallas_src>

<mosaic_0001>
#map = affine_map<(d0, d1) -> (0)>
module attributes {stable_mosaic.version = 14 : i64} {
  func.func @deg_kernel(%arg0: i32, %arg1: i32, %arg2: memref<320000xi32, #tpu.memory_space<hbm>>, %arg3: memref<20480xf32, #tpu.memory_space<hbm>>, %arg4: memref<80xi32, #tpu.memory_space<vmem>>, %arg5: memref<80xi32, #tpu.memory_space<vmem>>, %arg6: memref<80xf32, #tpu.memory_space<vmem>>, %arg7: memref<640xf32, #tpu.memory_space<vmem>>, %arg8: memref<10240xf32, #tpu.memory_space<vmem_shared>>, %arg9: memref<!tpu.dma_semaphore, #tpu.memory_space<semaphore_mem>>) attributes {dimension_semantics = [#tpu.dimension_semantics<core_parallel>, #tpu.dimension_semantics<subcore_parallel>], iteration_bounds = array<i64: 2, 16>, scalar_prefetch = 0 : i64, scratch_operands = 6 : i64, tpu.core_type = #tpu.core_type<sc_vector_subcore>, window_params = [{transform_indices = #map}, {transform_indices = #map}]} {
    %mul3A = arith.constant 16 : i32
    %mul3A_0 = arith.muli %arg0, %mul3A : i32
    %add3A = arith.addi %mul3A_0, %arg1 : i32
    %broadcast_in_dim3A = arith.constant 1.000000e+00 : f32
    %broadcast_in_dim3A_1 = vector.broadcast %broadcast_in_dim3A : f32 to vector<16xf32>
    %scan3A = arith.constant 0 : i32
    %scan3A_2 = arith.constant 0 : i32
    %scan3A_3 = arith.constant 5 : i32
    %scan3A_4 = arith.addi %scan3A_2, %scan3A_3 : i32
    %scan3A_5 = arith.constant 1 : i32
    %scan3A_6 = scf.for %scan3A_37 = %scan3A_2 to %scan3A_4 step %scan3A_5 iter_args(%scan3A_38 = %scan3A) -> (i32)  : i32 {
      %mul3A_39 = arith.constant 16 : i32
      %mul3A_40 = arith.muli %scan3A_37, %mul3A_39 : i32
      %swap3A = arith.index_cast %mul3A_40 : i32 to index
      %swap3A_41 = tpu.vector_load %arg6[%swap3A] {strides = array<i32>} : memref<80xf32, #tpu.memory_space<vmem>>, vector<16xf32>,
      %swap3A_42 = vector.shape_cast %swap3A_41 : vector<16xf32> to vector<16xf32>
      %swap3A_43 = vector.shape_cast %broadcast_in_dim3A_1 : vector<16xf32> to vector<16xf32>
      tpu.vector_store %arg6[%swap3A], %swap3A_43 {strides = array<i32>} : memref<80xf32, #tpu.memory_space<vmem>>, vector<16xf32>,
      %scan3A_44 = arith.constant 0 : i32
      scf.yield %scan3A_44 : i32
    }
    %scan3A_7 = arith.constant 5 : i32
    %broadcast_in_dim3A_8 = arith.constant 0.000000e+00 : f32
    %broadcast_in_dim3A_9 = vector.broadcast %broadcast_in_dim3A_8 : f32 to vector<16xf32>
    %scan3A_10 = arith.constant 0 : i32
    %scan3A_11 = arith.constant 0 : i32
    %scan3A_12 = arith.constant 40 : i32
    %scan3A_13 = arith.addi %scan3A_11, %scan3A_12 : i32
    %scan3A_14 = arith.constant 1 : i32
    %scan3A_15 = scf.for %scan3A_37 = %scan3A_11 to %scan3A_13 step %scan3A_14 iter_args(%scan3A_38 = %scan3A_10) -> (i32)  : i32 {
      %mul3A_39 = arith.constant 16 : i32
      %mul3A_40 = arith.muli %scan3A_37, %mul3A_39 : i32
      %swap3A = arith.index_cast %mul3A_40 : i32 to index
      %swap3A_41 = tpu.vector_load %arg7[%swap3A] {strides = array<i32>} : memref<640xf32, #tpu.memory_space<vmem>>, vector<16xf32>,
      %swap3A_42 = vector.shape_cast %swap3A_41 : vector<16xf32> to vector<16xf32>
      %swap3A_43 = vector.shape_cast %broadcast_in_dim3A_9 : vector<16xf32> to vector<16xf32>
      tpu.vector_store %arg7[%swap3A], %swap3A_43 {strides = array<i32>} : memref<640xf32, #tpu.memory_space<vmem>>, vector<16xf32>,
      %scan3A_44 = arith.constant 0 : i32
      scf.yield %scan3A_44 : i32
    }
    %scan3A_16 = arith.constant 40 : i32
    %mul3A_17 = arith.constant 640 : i32
    %mul3A_18 = arith.muli %arg1, %mul3A_17 : i32
    "tpu.region"() ({
      %run_scoped3A = tpu.sem_alloc : memref<!tpu.dma_semaphore, #tpu.memory_space<semaphore_mem>>
      %dma_start3A = tpu.memref_slice %arg8[%mul3A_18] : memref<10240xf32, #tpu.memory_space<vmem_shared>> -> memref<640xf32, #tpu.memory_space<vmem_shared>>
      %dma_start3A_37 = tpu.memref_slice %arg8[%mul3A_18] : memref<10240xf32, #tpu.memory_space<vmem_shared>> -> memref<640xf32, #tpu.memory_space<vmem_shared>>
      tpu.enqueue_dma source(%arg7 : memref<640xf32, #tpu.memory_space<vmem>>) target(%dma_start3A_37 : memref<640xf32, #tpu.memory_space<vmem_shared>>) target_semaphore(%run_scoped3A : memref<!tpu.dma_semaphore, #tpu.memory_space<semaphore_mem>>)
      %dma_wait3A = tpu.memref_slice %arg8[%mul3A_18] : memref<10240xf32, #tpu.memory_space<vmem_shared>> -> memref<640xf32, #tpu.memory_space<vmem_shared>>
      %dma_wait3A_38 = tpu.memref_slice %arg8[%mul3A_18] : memref<10240xf32, #tpu.memory_space<vmem_shared>> -> memref<640xf32, #tpu.memory_space<vmem_shared>>
      tpu.wait_dma2 semaphore(%run_scoped3A : memref<!tpu.dma_semaphore, #tpu.memory_space<semaphore_mem>>) src(%arg7 : memref<640xf32, #tpu.memory_space<vmem>>) dst(%dma_wait3A_38 : memref<640xf32, #tpu.memory_space<vmem_shared>>)
      tpu.yield
    }) : () -> ()
    %barrier3A = arith.constant 0 : index
    tpu.barrier barrier_id(%barrier3A)
    %mul3A_19 = arith.constant 10000 : i32
    %mul3A_20 = arith.muli %add3A, %mul3A_19 : i32
    %multiple_of3A = tpu.assume_multiple %mul3A_20, 8 : i32
    "tpu.region"() ({
      %run_scoped3A = tpu.sem_alloc : memref<!tpu.dma_semaphore, #tpu.memory_space<semaphore_mem>>
      %dma_start3A = tpu.memref_slice %arg2[%multiple_of3A] : memref<320000xi32, #tpu.memory_space<hbm>> -> memref<80xi32, #tpu.memory_space<hbm>>
      %dma_start3A_37 = tpu.memref_slice %arg2[%multiple_of3A] : memref<320000xi32, #tpu.memory_space<hbm>> -> memref<80xi32, #tpu.memory_space<hbm>>
      tpu.enqueue_dma source(%dma_start3A_37 : memref<80xi32, #tpu.memory_space<hbm>>) target(%arg4 : memref<80xi32, #tpu.memory_space<vmem>>) target_semaphore(%run_scoped3A : memref<!tpu.dma_semaphore, #tpu.memory_space<semaphore_mem>>)
      %dma_wait3A = tpu.memref_slice %arg2[%multiple_of3A] : memref<320000xi32, #tpu.memory_space<hbm>> -> memref<80xi32, #tpu.memory_space<hbm>>
      %dma_wait3A_38 = tpu.memref_slice %arg2[%multiple_of3A] : memref<320000xi32, #tpu.memory_space<hbm>> -> memref<80xi32, #tpu.memory_space<hbm>>
      tpu.wait_dma2 semaphore(%run_scoped3A : memref<!tpu.dma_semaphore, #tpu.memory_space<semaphore_mem>>) src(%dma_wait3A_38 : memref<80xi32, #tpu.memory_space<hbm>>) dst(%arg4 : memref<80xi32, #tpu.memory_space<vmem>>)
      tpu.yield
    }) : () -> ()
    %scan3A_21 = arith.constant 0 : i32
    %scan3A_22 = arith.constant 0 : i32
    %scan3A_23 = arith.constant 62 : i32
    %scan3A_24 = arith.addi %scan3A_22, %scan3A_23 : i32
    %scan3A_25 = arith.constant 1 : i32
    %scan3A_26 = scf.for %scan3A_37 = %scan3A_22 to %scan3A_24 step %scan3A_25 iter_args(%scan3A_38 = %scan3A_21) -> (i32)  : i32 {
      %mul3A_39 = arith.constant 2 : i32
      %mul3A_40 = arith.muli %mul3A_39, %scan3A_37 : i32
      %add3A_41 = arith.constant 1 : i32
      %add3A_42 = arith.addi %mul3A_40, %add3A_41 : i32
      %mul3A_43 = arith.constant 80 : i32
      %mul3A_44 = arith.muli %add3A_42, %mul3A_43 : i32
      %add3A_45 = arith.addi %mul3A_20, %mul3A_44 : i32
      %multiple_of3A_46 = tpu.assume_multiple %add3A_45, 8 : i32
      %dma_start3A = tpu.memref_slice %arg2[%multiple_of3A_46] : memref<320000xi32, #tpu.memory_space<hbm>> -> memref<80xi32, #tpu.memory_space<hbm>>
      %dma_start3A_47 = tpu.memref_slice %arg2[%multiple_of3A_46] : memref<320000xi32, #tpu.memory_space<hbm>> -> memref<80xi32, #tpu.memory_space<hbm>>
      tpu.enqueue_dma source(%dma_start3A_47 : memref<80xi32, #tpu.memory_space<hbm>>) target(%arg5 : memref<80xi32, #tpu.memory_space<vmem>>) target_semaphore(%arg9 : memref<!tpu.dma_semaphore, #tpu.memory_space<semaphore_mem>>)
      "tpu.region"() ({
        %run_scoped3A = tpu.sem_alloc : memref<!tpu.dma_semaphore, #tpu.memory_space<semaphore_mem>>
        %dma_start3A_60 = arith.constant 0 : i32
        %dma_start3A_61 = tpu.memref_slice %arg8[%dma_start3A_60] : memref<10240xf32, #tpu.memory_space<vmem_shared>> -> memref<10240xf32, #tpu.memory_space<vmem_shared>>
        tpu.enqueue_indirect_dma source(%arg6 : memref<80xf32, #tpu.memory_space<vmem>>) target(%dma_start3A_61 : memref<10240xf32, #tpu.memory_space<vmem_shared>>) offsets(%arg4 : memref<80xi32, #tpu.memory_space<vmem>>) semaphore(%run_scoped3A : memref<!tpu.dma_semaphore, #tpu.memory_space<semaphore_mem>>) {add = true}
        %dma_wait3A_62 = arith.constant 0 : i32
        %dma_wait3A_63 = tpu.memref_slice %arg8[%dma_wait3A_62] : memref<10240xf32, #tpu.memory_space<vmem_shared>> -> memref<10240xf32, #tpu.memory_space<vmem_shared>>
        tpu.wait_indirect_dma semaphore(%run_scoped3A : memref<!tpu.dma_semaphore, #tpu.memory_space<semaphore_mem>>) src(%arg6 : memref<80xf32, #tpu.memory_space<vmem>>) dst(%dma_wait3A_63 : memref<10240xf32, #tpu.memory_space<vmem_shared>>)
        tpu.yield
      }) : () -> ()
      %dma_wait3A = tpu.memref_slice %arg2[%multiple_of3A_46] : memref<320000xi32, #tpu.memory_space<hbm>> -> memref<80xi32, #tpu.memory_space<hbm>>
      %dma_wait3A_48 = tpu.memref_slice %arg2[%multiple_of3A_46] : memref<320000xi32, #tpu.memory_space<hbm>> -> memref<80xi32, #tpu.memory_space<hbm>>
      tpu.wait_dma2 semaphore(%arg9 : memref<!tpu.dma_semaphore, #tpu.memory_space<semaphore_mem>>) src(%dma_wait3A_48 : memref<80xi32, #tpu.memory_space<hbm>>) dst(%arg5 : memref<80xi32, #tpu.memory_space<vmem>>)
      %add3A_49 = arith.constant 2 : i32
      %add3A_50 = arith.addi %mul3A_40, %add3A_49 : i32
      %mul3A_51 = arith.constant 80 : i32
      %mul3A_52 = arith.muli %add3A_50, %mul3A_51 : i32
      %add3A_53 = arith.addi %mul3A_20, %mul3A_52 : i32
      %multiple_of3A_54 = tpu.assume_multiple %add3A_53, 8 : i32
      %dma_start3A_55 = tpu.memref_slice %arg2[%multiple_of3A_54] : memref<320000xi32, #tpu.memory_space<hbm>> -> memref<80xi32, #tpu.memory_space<hbm>>
      %dma_start3A_56 = tpu.memref_slice %arg2[%multiple_of3A_54] : memref<320000xi32, #tpu.memory_space<hbm>> -> memref<80xi32, #tpu.memory_space<hbm>>
      tpu.enqueue_dma source(%dma_start3A_56 : memref<80xi32, #tpu.memory_space<hbm>>) target(%arg4 : memref<80xi32, #tpu.memory_space<vmem>>) target_semaphore(%arg9 : memref<!tpu.dma_semaphore, #tpu.memory_space<semaphore_mem>>)
      "tpu.region"() ({
        %run_scoped3A = tpu.sem_alloc : memref<!tpu.dma_semaphore, #tpu.memory_space<semaphore_mem>>
        %dma_start3A_60 = arith.constant 0 : i32
        %dma_start3A_61 = tpu.memref_slice %arg8[%dma_start3A_60] : memref<10240xf32, #tpu.memory_space<vmem_shared>> -> memref<10240xf32, #tpu.memory_space<vmem_shared>>
        tpu.enqueue_indirect_dma source(%arg6 : memref<80xf32, #tpu.memory_space<vmem>>) target(%dma_start3A_61 : memref<10240xf32, #tpu.memory_space<vmem_shared>>) offsets(%arg5 : memref<80xi32, #tpu.memory_space<vmem>>) semaphore(%run_scoped3A : memref<!tpu.dma_semaphore, #tpu.memory_space<semaphore_mem>>) {add = true}
        %dma_wait3A_62 = arith.constant 0 : i32
        %dma_wait3A_63 = tpu.memref_slice %arg8[%dma_wait3A_62] : memref<10240xf32, #tpu.memory_space<vmem_shared>> -> memref<10240xf32, #tpu.memory_space<vmem_shared>>
        tpu.wait_indirect_dma semaphore(%run_scoped3A : memref<!tpu.dma_semaphore, #tpu.memory_space<semaphore_mem>>) src(%arg6 : memref<80xf32, #tpu.memory_space<vmem>>) dst(%dma_wait3A_63 : memref<10240xf32, #tpu.memory_space<vmem_shared>>)
        tpu.yield
      }) : () -> ()
      %dma_wait3A_57 = tpu.memref_slice %arg2[%multiple_of3A_54] : memref<320000xi32, #tpu.memory_space<hbm>> -> memref<80xi32, #tpu.memory_space<hbm>>
      %dma_wait3A_58 = tpu.memref_slice %arg2[%multiple_of3A_54] : memref<320000xi32, #tpu.memory_space<hbm>> -> memref<80xi32, #tpu.memory_space<hbm>>
      tpu.wait_dma2 semaphore(%arg9 : memref<!tpu.dma_semaphore, #tpu.memory_space<semaphore_mem>>) src(%dma_wait3A_58 : memref<80xi32, #tpu.memory_space<hbm>>) dst(%arg4 : memref<80xi32, #tpu.memory_space<vmem>>)
      %scan3A_59 = arith.constant 0 : i32
      scf.yield %scan3A_59 : i32
    }
    %scan3A_27 = arith.constant 62 : i32
    "tpu.region"() ({
      %run_scoped3A = tpu.sem_alloc : memref<!tpu.dma_semaphore, #tpu.memory_space<semaphore_mem>>
      %dma_start3A = arith.constant 0 : i32
      %dma_start3A_37 = tpu.memref_slice %arg8[%dma_start3A] : memref<10240xf32, #tpu.memory_space<vmem_shared>> -> memref<10240xf32, #tpu.memory_space<vmem_shared>>
      tpu.enqueue_indirect_dma source(%arg6 : memref<80xf32, #tpu.memory_space<vmem>>) target(%dma_start3A_37 : memref<10240xf32, #tpu.memory_space<vmem_shared>>) offsets(%arg4 : memref<80xi32, #tpu.memory_space<vmem>>) semaphore(%run_scoped3A : memref<!tpu.dma_semaphore, #tpu.memory_space<semaphore_mem>>) {add = true}
      %dma_wait3A = arith.constant 0 : i32
      %dma_wait3A_38 = tpu.memref_slice %arg8[%dma_wait3A] : memref<10240xf32, #tpu.memory_space<vmem_shared>> -> memref<10240xf32, #tpu.memory_space<vmem_shared>>
      tpu.wait_indirect_dma semaphore(%run_scoped3A : memref<!tpu.dma_semaphore, #tpu.memory_space<semaphore_mem>>) src(%arg6 : memref<80xf32, #tpu.memory_space<vmem>>) dst(%dma_wait3A_38 : memref<10240xf32, #tpu.memory_space<vmem_shared>>)
      tpu.yield
    }) : () -> ()
    %barrier3A_28 = arith.constant 0 : index
    tpu.barrier barrier_id(%barrier3A_28)
    %mul3A_29 = arith.constant 10240 : i32
    %mul3A_30 = arith.muli %arg0, %mul3A_29 : i32
    %mul3A_31 = arith.constant 640 : i32
    %mul3A_32 = arith.muli %arg1, %mul3A_31 : i32
    %add3A_33 = arith.addi %mul3A_30, %mul3A_32 : i32
    %multiple_of3A_34 = tpu.assume_multiple %add3A_33, 128 : i32
    %mul3A_35 = arith.constant 640 : i32
    %mul3A_36 = arith.muli %arg1, %mul3A_35 : i32
    "tpu.region"() ({
      %run_scoped3A = tpu.sem_alloc : memref<!tpu.dma_semaphore, #tpu.memory_space<semaphore_mem>>
      %dma_start3A = tpu.memref_slice %arg3[%multiple_of3A_34] : memref<20480xf32, #tpu.memory_space<hbm>> -> memref<640xf32, #tpu.memory_space<hbm>>
      %dma_start3A_37 = tpu.memref_slice %arg8[%mul3A_36] : memref<10240xf32, #tpu.memory_space<vmem_shared>> -> memref<640xf32, #tpu.memory_space<vmem_shared>>
      tpu.enqueue_dma source(%dma_start3A_37 : memref<640xf32, #tpu.memory_space<vmem_shared>>) target(%dma_start3A : memref<640xf32, #tpu.memory_space<hbm>>) target_semaphore(%run_scoped3A : memref<!tpu.dma_semaphore, #tpu.memory_space<semaphore_mem>>)
      %dma_wait3A = tpu.memref_slice %arg3[%multiple_of3A_34] : memref<20480xf32, #tpu.memory_space<hbm>> -> memref<640xf32, #tpu.memory_space<hbm>>
      %dma_wait3A_38 = tpu.memref_slice %arg8[%mul3A_36] : memref<10240xf32, #tpu.memory_space<vmem_shared>> -> memref<640xf32, #tpu.memory_space<vmem_shared>>
      tpu.wait_dma2 semaphore(%run_scoped3A : memref<!tpu.dma_semaphore, #tpu.memory_space<semaphore_mem>>) src(%dma_wait3A_38 : memref<640xf32, #tpu.memory_space<vmem_shared>>) dst(%dma_wait3A : memref<640xf32, #tpu.memory_space<hbm>>)
      tpu.yield
    }) : () -> ()
    return
  }
}

#map = affine_map<(d0, d1) -> (0)>
#map1 = affine_map<(d0, d1) -> (0, 0)>
#map2 = affine_map<(d0, d1) -> (0, 0, 0)>
module attributes {stable_mosaic.version = 14 : i64} {
  func.func @agg_kernel(%arg0: i32, %arg1: i32, %arg2: memref<320000xi32, #tpu.memory_space<hbm>>, %arg3: memref<10000x128xf32, #tpu.memory_space<hbm>>, %arg4: memref<2x10240x128xf32, #tpu.memory_space<hbm>>, %arg5: memref<80xi32, #tpu.memory_space<vmem>>, %arg6: memref<80xi32, #tpu.memory_space<vmem>>, %arg7: memref<80xi32, #tpu.memory_space<vmem>>, %arg8: memref<80xi32, #tpu.memory_space<vmem>>, %arg9: memref<80xi32, #tpu.memory_space<vmem>>, %arg10: memref<80x128xf32, #tpu.memory_space<vmem>>, %arg11: memref<80x128xf32, #tpu.memory_space<vmem>>, %arg12: memref<10240x128xf32, #tpu.memory_space<vmem_shared>>, %arg13: memref<!tpu.dma_semaphore, #tpu.memory_space<semaphore_mem>>, %arg14: memref<!tpu.dma_semaphore, #tpu.memory_space<semaphore_mem>>) attributes {dimension_semantics = [#tpu.dimension_semantics<core_parallel>, #tpu.dimension_semantics<subcore_parallel>], iteration_bounds = array<i64: 2, 16>, scalar_prefetch = 0 : i64, scratch_operands = 10 : i64, tpu.core_type = #tpu.core_type<sc_vector_subcore>, window_params = [{transform_indices = #map}, {transform_indices = #map1}, {transform_indices = #map2}]} {
    %mul3A = arith.constant 16 : i32
    %mul3A_0 = arith.muli %arg0, %mul3A : i32
    %add3A = arith.addi %mul3A_0, %arg1 : i32
    %mul3A_1 = arith.constant 10000 : i32
    %mul3A_2 = arith.muli %add3A, %mul3A_1 : i32
    %broadcast_in_dim3A = arith.constant 0.000000e+00 : f32
    %broadcast_in_dim3A_3 = vector.broadcast %broadcast_in_dim3A : f32 to vector<16xf32>
    %scan3A = arith.constant 0 : i32
    %scan3A_4 = arith.constant 0 : i32
    %scan3A_5 = arith.constant 80 : i32
    %scan3A_6 = arith.addi %scan3A_4, %scan3A_5 : i32
    %scan3A_7 = arith.constant 1 : i32
    %scan3A_8 = scf.for %scan3A_116 = %scan3A_4 to %scan3A_6 step %scan3A_7 iter_args(%scan3A_117 = %scan3A) -> (i32)  : i32 {
      %scan3A_118 = arith.constant 0 : i32
      %scan3A_119 = arith.constant 0 : i32
      %scan3A_120 = arith.constant 8 : i32
      %scan3A_121 = arith.addi %scan3A_119, %scan3A_120 : i32
      %scan3A_122 = arith.constant 1 : i32
      %scan3A_123 = scf.for %scan3A_126 = %scan3A_119 to %scan3A_121 step %scan3A_122 iter_args(%scan3A_127 = %scan3A_118) -> (i32)  : i32 {
        %mul3A_128 = arith.constant 16 : i32
        %mul3A_129 = arith.muli %scan3A_126, %mul3A_128 : i32
        %swap3A_130 = arith.index_cast %scan3A_116 : i32 to index
        %swap3A_131 = arith.index_cast %mul3A_129 : i32 to index
        %swap3A_132 = tpu.vector_load %arg10[%swap3A_130, %swap3A_131] {strides = array<i32>} : memref<80x128xf32, #tpu.memory_space<vmem>>, vector<1x16xf32>,
        %swap3A_133 = vector.shape_cast %swap3A_132 : vector<1x16xf32> to vector<16xf32>
        %swap3A_134 = vector.shape_cast %broadcast_in_dim3A_3 : vector<16xf32> to vector<1x16xf32>
        tpu.vector_store %arg10[%swap3A_130, %swap3A_131], %swap3A_134 {strides = array<i32>} : memref<80x128xf32, #tpu.memory_space<vmem>>, vector<1x16xf32>,
        %scan3A_135 = arith.constant 0 : i32
        scf.yield %scan3A_135 : i32
      }
      %scan3A_124 = arith.constant 8 : i32
      %scan3A_125 = arith.constant 0 : i32
      scf.yield %scan3A_125 : i32
    }
    %scan3A_9 = arith.constant 80 : i32
    %scan3A_10 = arith.constant 0 : i32
    %scan3A_11 = arith.constant 0 : i32
    %scan3A_12 = arith.constant 8 : i32
    %scan3A_13 = arith.addi %scan3A_11, %scan3A_12 : i32
    %scan3A_14 = arith.constant 1 : i32
    %scan3A_15 = scf.for %scan3A_116 = %scan3A_11 to %scan3A_13 step %scan3A_14 iter_args(%scan3A_117 = %scan3A_10) -> (i32)  : i32 {
      %mul3A_118 = arith.constant 640 : i32
      %mul3A_119 = arith.muli %arg1, %mul3A_118 : i32
      %mul3A_120 = arith.constant 80 : i32
      %mul3A_121 = arith.muli %scan3A_116, %mul3A_120 : i32
      %add3A_122 = arith.addi %mul3A_119, %mul3A_121 : i32
      "tpu.region"() ({
        %run_scoped3A = tpu.sem_alloc : memref<!tpu.dma_semaphore, #tpu.memory_space<semaphore_mem>>
        %dma_start3A_124 = arith.constant 0 : i32
        %dma_start3A_125 = tpu.memref_slice %arg12[%add3A_122, %dma_start3A_124] : memref<10240x128xf32, #tpu.memory_space<vmem_shared>> -> memref<80x128xf32, #tpu.memory_space<vmem_shared>>
        %dma_start3A_126 = arith.constant 0 : i32
        %dma_start3A_127 = tpu.memref_slice %arg12[%add3A_122, %dma_start3A_126] : memref<10240x128xf32, #tpu.memory_space<vmem_shared>> -> memref<80x128xf32, #tpu.memory_space<vmem_shared>>
        tpu.enqueue_dma source(%arg10 : memref<80x128xf32, #tpu.memory_space<vmem>>) target(%dma_start3A_127 : memref<80x128xf32, #tpu.memory_space<vmem_shared>>) target_semaphore(%run_scoped3A : memref<!tpu.dma_semaphore, #tpu.memory_space<semaphore_mem>>)
        %dma_wait3A_128 = arith.constant 0 : i32
        %dma_wait3A_129 = tpu.memref_slice %arg12[%add3A_122, %dma_wait3A_128] : memref<10240x128xf32, #tpu.memory_space<vmem_shared>> -> memref<80x128xf32, #tpu.memory_space<vmem_shared>>
        %dma_wait3A_130 = arith.constant 0 : i32
        %dma_wait3A_131 = tpu.memref_slice %arg12[%add3A_122, %dma_wait3A_130] : memref<10240x128xf32, #tpu.memory_space<vmem_shared>> -> memref<80x128xf32, #tpu.memory_space<vmem_shared>>
        tpu.wait_dma2 semaphore(%run_scoped3A : memref<!tpu.dma_semaphore, #tpu.memory_space<semaphore_mem>>) src(%arg10 : memref<80x128xf32, #tpu.memory_space<vmem>>) dst(%dma_wait3A_131 : memref<80x128xf32, #tpu.memory_space<vmem_shared>>)
        tpu.yield
      }) : () -> ()
      %scan3A_123 = arith.constant 0 : i32
      scf.yield %scan3A_123 : i32
    }
    %scan3A_16 = arith.constant 8 : i32
    %barrier3A = arith.constant 0 : index
    tpu.barrier barrier_id(%barrier3A)
    %add3A_17 = arith.constant 0 : i32
    %add3A_18 = arith.addi %mul3A_2, %add3A_17 : i32
    %multiple_of3A = tpu.assume_multiple %add3A_18, 8 : i32
    "tpu.region"() ({
      %run_scoped3A = tpu.sem_alloc : memref<!tpu.dma_semaphore, #tpu.memory_space<semaphore_mem>>
      %dma_start3A_116 = tpu.memref_slice %arg2[%multiple_of3A] : memref<320000xi32, #tpu.memory_space<hbm>> -> memref<80xi32, #tpu.memory_space<hbm>>
      %dma_start3A_117 = tpu.memref_slice %arg2[%multiple_of3A] : memref<320000xi32, #tpu.memory_space<hbm>> -> memref<80xi32, #tpu.memory_space<hbm>>
      tpu.enqueue_dma source(%dma_start3A_117 : memref<80xi32, #tpu.memory_space<hbm>>) target(%arg5 : memref<80xi32, #tpu.memory_space<vmem>>) target_semaphore(%run_scoped3A : memref<!tpu.dma_semaphore, #tpu.memory_space<semaphore_mem>>)
      %dma_wait3A_118 = tpu.memref_slice %arg2[%multiple_of3A] : memref<320000xi32, #tpu.memory_space<hbm>> -> memref<80xi32, #tpu.memory_space<hbm>>
      %dma_wait3A_119 = tpu.memref_slice %arg2[%multiple_of3A] : memref<320000xi32, #tpu.memory_space<hbm>> -> memref<80xi32, #tpu.memory_space<hbm>>
      tpu.wait_dma2 semaphore(%run_scoped3A : memref<!tpu.dma_semaphore, #tpu.memory_space<semaphore_mem>>) src(%dma_wait3A_119 : memref<80xi32, #tpu.memory_space<hbm>>) dst(%arg5 : memref<80xi32, #tpu.memory_space<vmem>>)
      tpu.yield
    }) : () -> ()
    %get3A = arith.constant 0 : index
    %get3A_19 = tpu.vector_load %arg5[%get3A] {strides = array<i32>} : memref<80xi32, #tpu.memory_space<vmem>>, vector<16xi32>,
    %get3A_20 = vector.shape_cast %get3A_19 : vector<16xi32> to vector<16xi32>
    %shift_right_arithmetic3A = arith.constant 16 : i32
    %shift_right_arithmetic3A_21 = vector.broadcast %shift_right_arithmetic3A : i32 to vector<16xi32>
    %shift_right_arithmetic3A_22 = arith.shrsi %get3A_20, %shift_right_arithmetic3A_21 : vector<16xi32>
    %swap3A = arith.constant 0 : index
    %swap3A_23 = tpu.vector_load %arg6[%swap3A] {strides = array<i32>} : memref<80xi32, #tpu.memory_space<vmem>>, vector<16xi32>,
    %swap3A_24 = vector.shape_cast %swap3A_23 : vector<16xi32> to vector<16xi32>
    %swap3A_25 = vector.shape_cast %shift_right_arithmetic3A_22 : vector<16xi32> to vector<16xi32>
    tpu.vector_store %arg6[%swap3A], %swap3A_25 {strides = array<i32>} : memref<80xi32, #tpu.memory_space<vmem>>, vector<16xi32>,
    %and3A = arith.constant 65535 : i32
    %and3A_26 = vector.broadcast %and3A : i32 to vector<16xi32>
    %and3A_27 = arith.andi %get3A_20, %and3A_26 : vector<16xi32>
    %swap3A_28 = arith.constant 0 : index
    %swap3A_29 = tpu.vector_load %arg7[%swap3A_28] {strides = array<i32>} : memref<80xi32, #tpu.memory_space<vmem>>, vector<16xi32>,
    %swap3A_30 = vector.shape_cast %swap3A_29 : vector<16xi32> to vector<16xi32>
    %swap3A_31 = vector.shape_cast %and3A_27 : vector<16xi32> to vector<16xi32>
    tpu.vector_store %arg7[%swap3A_28], %swap3A_31 {strides = array<i32>} : memref<80xi32, #tpu.memory_space<vmem>>, vector<16xi32>,
    %get3A_32 = arith.constant 16 : index
    %get3A_33 = tpu.vector_load %arg5[%get3A_32] {strides = array<i32>} : memref<80xi32, #tpu.memory_space<vmem>>, vector<16xi32>,
    %get3A_34 = vector.shape_cast %get3A_33 : vector<16xi32> to vector<16xi32>
    %shift_right_arithmetic3A_35 = arith.constant 16 : i32
    %shift_right_arithmetic3A_36 = vector.broadcast %shift_right_arithmetic3A_35 : i32 to vector<16xi32>
    %shift_right_arithmetic3A_37 = arith.shrsi %get3A_34, %shift_right_arithmetic3A_36 : vector<16xi32>
    %swap3A_38 = arith.constant 16 : index
    %swap3A_39 = tpu.vector_load %arg6[%swap3A_38] {strides = array<i32>} : memref<80xi32, #tpu.memory_space<vmem>>, vector<16xi32>,
    %swap3A_40 = vector.shape_cast %swap3A_39 : vector<16xi32> to vector<16xi32>
    %swap3A_41 = vector.shape_cast %shift_right_arithmetic3A_37 : vector<16xi32> to vector<16xi32>
    tpu.vector_store %arg6[%swap3A_38], %swap3A_41 {strides = array<i32>} : memref<80xi32, #tpu.memory_space<vmem>>, vector<16xi32>,
    %and3A_42 = arith.constant 65535 : i32
    %and3A_43 = vector.broadcast %and3A_42 : i32 to vector<16xi32>
    %and3A_44 = arith.andi %get3A_34, %and3A_43 : vector<16xi32>
    %swap3A_45 = arith.constant 16 : index
    %swap3A_46 = tpu.vector_load %arg7[%swap3A_45] {strides = array<i32>} : memref<80xi32, #tpu.memory_space<vmem>>, vector<16xi32>,
    %swap3A_47 = vector.shape_cast %swap3A_46 : vector<16xi32> to vector<16xi32>
    %swap3A_48 = vector.shape_cast %and3A_44 : vector<16xi32> to vector<16xi32>
    tpu.vector_store %arg7[%swap3A_45], %swap3A_48 {strides = array<i32>} : memref<80xi32, #tpu.memory_space<vmem>>, vector<16xi32>,
    %get3A_49 = arith.constant 32 : index
    %get3A_50 = tpu.vector_load %arg5[%get3A_49] {strides = array<i32>} : memref<80xi32, #tpu.memory_space<vmem>>, vector<16xi32>,
    %get3A_51 = vector.shape_cast %get3A_50 : vector<16xi32> to vector<16xi32>
    %shift_right_arithmetic3A_52 = arith.constant 16 : i32
    %shift_right_arithmetic3A_53 = vector.broadcast %shift_right_arithmetic3A_52 : i32 to vector<16xi32>
    %shift_right_arithmetic3A_54 = arith.shrsi %get3A_51, %shift_right_arithmetic3A_53 : vector<16xi32>
    %swap3A_55 = arith.constant 32 : index
    %swap3A_56 = tpu.vector_load %arg6[%swap3A_55] {strides = array<i32>} : memref<80xi32, #tpu.memory_space<vmem>>, vector<16xi32>,
    %swap3A_57 = vector.shape_cast %swap3A_56 : vector<16xi32> to vector<16xi32>
    %swap3A_58 = vector.shape_cast %shift_right_arithmetic3A_54 : vector<16xi32> to vector<16xi32>
    tpu.vector_store %arg6[%swap3A_55], %swap3A_58 {strides = array<i32>} : memref<80xi32, #tpu.memory_space<vmem>>, vector<16xi32>,
    %and3A_59 = arith.constant 65535 : i32
    %and3A_60 = vector.broadcast %and3A_59 : i32 to vector<16xi32>
    %and3A_61 = arith.andi %get3A_51, %and3A_60 : vector<16xi32>
    %swap3A_62 = arith.constant 32 : index
    %swap3A_63 = tpu.vector_load %arg7[%swap3A_62] {strides = array<i32>} : memref<80xi32, #tpu.memory_space<vmem>>, vector<16xi32>,
    %swap3A_64 = vector.shape_cast %swap3A_63 : vector<16xi32> to vector<16xi32>
    %swap3A_65 = vector.shape_cast %and3A_61 : vector<16xi32> to vector<16xi32>
    tpu.vector_store %arg7[%swap3A_62], %swap3A_65 {strides = array<i32>} : memref<80xi32, #tpu.memory_space<vmem>>, vector<16xi32>,
    %get3A_66 = arith.constant 48 : index
    %get3A_67 = tpu.vector_load %arg5[%get3A_66] {strides = array<i32>} : memref<80xi32, #tpu.memory_space<vmem>>, vector<16xi32>,
    %get3A_68 = vector.shape_cast %get3A_67 : vector<16xi32> to vector<16xi32>
    %shift_right_arithmetic3A_69 = arith.constant 16 : i32
    %shift_right_arithmetic3A_70 = vector.broadcast %shift_right_arithmetic3A_69 : i32 to vector<16xi32>
    %shift_right_arithmetic3A_71 = arith.shrsi %get3A_68, %shift_right_arithmetic3A_70 : vector<16xi32>
    %swap3A_72 = arith.constant 48 : index
    %swap3A_73 = tpu.vector_load %arg6[%swap3A_72] {strides = array<i32>} : memref<80xi32, #tpu.memory_space<vmem>>, vector<16xi32>,
    %swap3A_74 = vector.shape_cast %swap3A_73 : vector<16xi32> to vector<16xi32>
    %swap3A_75 = vector.shape_cast %shift_right_arithmetic3A_71 : vector<16xi32> to vector<16xi32>
    tpu.vector_store %arg6[%swap3A_72], %swap3A_75 {strides = array<i32>} : memref<80xi32, #tpu.memory_space<vmem>>, vector<16xi32>,
    %and3A_76 = arith.constant 65535 : i32
    %and3A_77 = vector.broadcast %and3A_76 : i32 to vector<16xi32>
    %and3A_78 = arith.andi %get3A_68, %and3A_77 : vector<16xi32>
    %swap3A_79 = arith.constant 48 : index
    %swap3A_80 = tpu.vector_load %arg7[%swap3A_79] {strides = array<i32>} : memref<80xi32, #tpu.memory_space<vmem>>, vector<16xi32>,
    %swap3A_81 = vector.shape_cast %swap3A_80 : vector<16xi32> to vector<16xi32>
    %swap3A_82 = vector.shape_cast %and3A_78 : vector<16xi32> to vector<16xi32>
    tpu.vector_store %arg7[%swap3A_79], %swap3A_82 {strides = array<i32>} : memref<80xi32, #tpu.memory_space<vmem>>, vector<16xi32>,
    %get3A_83 = arith.constant 64 : index
    %get3A_84 = tpu.vector_load %arg5[%get3A_83] {strides = array<i32>} : memref<80xi32, #tpu.memory_space<vmem>>, vector<16xi32>,
    %get3A_85 = vector.shape_cast %get3A_84 : vector<16xi32> to vector<16xi32>
    %shift_right_arithmetic3A_86 = arith.constant 16 : i32
    %shift_right_arithmetic3A_87 = vector.broadcast %shift_right_arithmetic3A_86 : i32 to vector<16xi32>
    %shift_right_arithmetic3A_88 = arith.shrsi %get3A_85, %shift_right_arithmetic3A_87 : vector<16xi32>
    %swap3A_89 = arith.constant 64 : index
    %swap3A_90 = tpu.vector_load %arg6[%swap3A_89] {strides = array<i32>} : memref<80xi32, #tpu.memory_space<vmem>>, vector<16xi32>,
    %swap3A_91 = vector.shape_cast %swap3A_90 : vector<16xi32> to vector<16xi32>
    %swap3A_92 = vector.shape_cast %shift_right_arithmetic3A_88 : vector<16xi32> to vector<16xi32>
    tpu.vector_store %arg6[%swap3A_89], %swap3A_92 {strides = array<i32>} : memref<80xi32, #tpu.memory_space<vmem>>, vector<16xi32>,
    %and3A_93 = arith.constant 65535 : i32
    %and3A_94 = vector.broadcast %and3A_93 : i32 to vector<16xi32>
    %and3A_95 = arith.andi %get3A_85, %and3A_94 : vector<16xi32>
    %swap3A_96 = arith.constant 64 : index
    %swap3A_97 = tpu.vector_load %arg7[%swap3A_96] {strides = array<i32>} : memref<80xi32, #tpu.memory_space<vmem>>, vector<16xi32>,
    %swap3A_98 = vector.shape_cast %swap3A_97 : vector<16xi32> to vector<16xi32>
    %swap3A_99 = vector.shape_cast %and3A_95 : vector<16xi32> to vector<16xi32>
    tpu.vector_store %arg7[%swap3A_96], %swap3A_99 {strides = array<i32>} : memref<80xi32, #tpu.memory_space<vmem>>, vector<16xi32>,
    %dma_start3A = arith.constant 0 : i32
    %dma_start3A_100 = arith.constant 0 : i32
    %dma_start3A_101 = tpu.memref_slice %arg3[%dma_start3A, %dma_start3A_100] : memref<10000x128xf32, #tpu.memory_space<hbm>> -> memref<10000x128xf32, #tpu.memory_space<hbm>>
    tpu.enqueue_indirect_dma source(%dma_start3A_101 : memref<10000x128xf32, #tpu.memory_space<hbm>>) target(%arg10 : memref<80x128xf32, #tpu.memory_space<vmem>>) offsets(%arg6 : memref<80xi32, #tpu.memory_space<vmem>>) semaphore(%arg13 : memref<!tpu.dma_semaphore, #tpu.memory_space<semaphore_mem>>)
    %dma_wait3A = arith.constant 0 : i32
    %dma_wait3A_102 = arith.constant 0 : i32
    %dma_wait3A_103 = tpu.memref_slice %arg3[%dma_wait3A, %dma_wait3A_102] : memref<10000x128xf32, #tpu.memory_space<hbm>> -> memref<10000x128xf32, #tpu.memory_space<hbm>>
    tpu.wait_indirect_dma semaphore(%arg13 : memref<!tpu.dma_semaphore, #tpu.memory_space<semaphore_mem>>) src(%dma_wait3A_103 : memref<10000x128xf32, #tpu.memory_space<hbm>>) dst(%arg10 : memref<80x128xf32, #tpu.memory_space<vmem>>)
    %scan3A_104 = arith.constant 0 : i32
    %scan3A_105 = arith.constant 0 : i32
    %scan3A_106 = arith.constant 62 : i32
    %scan3A_107 = arith.addi %scan3A_105, %scan3A_106 : i32
    %scan3A_108 = arith.constant 1 : i32
    %scan3A_109 = scf.for %scan3A_116 = %scan3A_105 to %scan3A_107 step %scan3A_108 iter_args(%scan3A_117 = %scan3A_104) -> (i32)  : i32 {
      %mul3A_118 = arith.constant 2 : i32
      %mul3A_119 = arith.muli %mul3A_118, %scan3A_116 : i32
      %add3A_120 = arith.constant 1 : i32
      %add3A_121 = arith.addi %mul3A_119, %add3A_120 : i32
      %mul3A_122 = arith.constant 80 : i32
      %mul3A_123 = arith.muli %add3A_121, %mul3A_122 : i32
      %add3A_124 = arith.addi %mul3A_2, %mul3A_123 : i32
      %multiple_of3A_125 = tpu.assume_multiple %add3A_124, 8 : i32
      "tpu.region"() ({
        %run_scoped3A = tpu.sem_alloc : memref<!tpu.dma_semaphore, #tpu.memory_space<semaphore_mem>>
        %dma_start3A_315 = tpu.memref_slice %arg2[%multiple_of3A_125] : memref<320000xi32, #tpu.memory_space<hbm>> -> memref<80xi32, #tpu.memory_space<hbm>>
        %dma_start3A_316 = tpu.memref_slice %arg2[%multiple_of3A_125] : memref<320000xi32, #tpu.memory_space<hbm>> -> memref<80xi32, #tpu.memory_space<hbm>>
        tpu.enqueue_dma source(%dma_start3A_316 : memref<80xi32, #tpu.memory_space<hbm>>) target(%arg5 : memref<80xi32, #tpu.memory_space<vmem>>) target_semaphore(%run_scoped3A : memref<!tpu.dma_semaphore, #tpu.memory_space<semaphore_mem>>)
        %dma_wait3A_317 = tpu.memref_slice %arg2[%multiple_of3A_125] : memref<320000xi32, #tpu.memory_space<hbm>> -> memref<80xi32, #tpu.memory_space<hbm>>
        %dma_wait3A_318 = tpu.memref_slice %arg2[%multiple_of3A_125] : memref<320000xi32, #tpu.memory_space<hbm>> -> memref<80xi32, #tpu.memory_space<hbm>>
        tpu.wait_dma2 semaphore(%run_scoped3A : memref<!tpu.dma_semaphore, #tpu.memory_space<semaphore_mem>>) src(%dma_wait3A_318 : memref<80xi32, #tpu.memory_space<hbm>>) dst(%arg5 : memref<80xi32, #tpu.memory_space<vmem>>)
        tpu.yield
      }) : () -> ()
      %get3A_126 = arith.constant 0 : index
      %get3A_127 = tpu.vector_load %arg5[%get3A_126] {strides = array<i32>} : memref<80xi32, #tpu.memory_space<vmem>>, vector<16xi32>,
      %get3A_128 = vector.shape_cast %get3A_127 : vector<16xi32> to vector<16xi32>
      %shift_right_arithmetic3A_129 = arith.constant 16 : i32
      %shift_right_arithmetic3A_130 = vector.broadcast %shift_right_arithmetic3A_129 : i32 to vector<16xi32>
      %shift_right_arithmetic3A_131 = arith.shrsi %get3A_128, %shift_right_arithmetic3A_130 : vector<16xi32>
      %swap3A_132 = arith.constant 0 : index
      %swap3A_133 = tpu.vector_load %arg8[%swap3A_132] {strides = array<i32>} : memref<80xi32, #tpu.memory_space<vmem>>, vector<16xi32>,
      %swap3A_134 = vector.shape_cast %swap3A_133 : vector<16xi32> to vector<16xi32>
      %swap3A_135 = vector.shape_cast %shift_right_arithmetic3A_131 : vector<16xi32> to vector<16xi32>
      tpu.vector_store %arg8[%swap3A_132], %swap3A_135 {strides = array<i32>} : memref<80xi32, #tpu.memory_space<vmem>>, vector<16xi32>,
      %and3A_136 = arith.constant 65535 : i32
      %and3A_137 = vector.broadcast %and3A_136 : i32 to vector<16xi32>
      %and3A_138 = arith.andi %get3A_128, %and3A_137 : vector<16xi32>
      %swap3A_139 = arith.constant 0 : index
      %swap3A_140 = tpu.vector_load %arg9[%swap3A_139] {strides = array<i32>} : memref<80xi32, #tpu.memory_space<vmem>>, vector<16xi32>,
      %swap3A_141 = vector.shape_cast %swap3A_140 : vector<16xi32> to vector<16xi32>
      %swap3A_142 = vector.shape_cast %and3A_138 : vector<16xi32> to vector<16xi32>
      tpu.vector_store %arg9[%swap3A_139], %swap3A_142 {strides = array<i32>} : memref<80xi32, #tpu.memory_space<vmem>>, vector<16xi32>,
      %get3A_143 = arith.constant 16 : index
      %get3A_144 = tpu.vector_load %arg5[%get3A_143] {strides = array<i32>} : memref<80xi32, #tpu.memory_space<vmem>>, vector<16xi32>,
      %get3A_145 = vector.shape_cast %get3A_144 : vector<16xi32> to vector<16xi32>
      %shift_right_arithmetic3A_146 = arith.constant 16 : i32
      %shift_right_arithmetic3A_147 = vector.broadcast %shift_right_arithmetic3A_146 : i32 to vector<16xi32>
      %shift_right_arithmetic3A_148 = arith.shrsi %get3A_145, %shift_right_arithmetic3A_147 : vector<16xi32>
      %swap3A_149 = arith.constant 16 : index
      %swap3A_150 = tpu.vector_load %arg8[%swap3A_149] {strides = array<i32>} : memref<80xi32, #tpu.memory_space<vmem>>, vector<16xi32>,
      %swap3A_151 = vector.shape_cast %swap3A_150 : vector<16xi32> to vector<16xi32>
      %swap3A_152 = vector.shape_cast %shift_right_arithmetic3A_148 : vector<16xi32> to vector<16xi32>
      tpu.vector_store %arg8[%swap3A_149], %swap3A_152 {strides = array<i32>} : memref<80xi32, #tpu.memory_space<vmem>>, vector<16xi32>,
      %and3A_153 = arith.constant 65535 : i32
      %and3A_154 = vector.broadcast %and3A_153 : i32 to vector<16xi32>
      %and3A_155 = arith.andi %get3A_145, %and3A_154 : vector<16xi32>
      %swap3A_156 = arith.constant 16 : index
      %swap3A_157 = tpu.vector_load %arg9[%swap3A_156] {strides = array<i32>} : memref<80xi32, #tpu.memory_space<vmem>>, vector<16xi32>,
      %swap3A_158 = vector.shape_cast %swap3A_157 : vector<16xi32> to vector<16xi32>
      %swap3A_159 = vector.shape_cast %and3A_155 : vector<16xi32> to vector<16xi32>
      tpu.vector_store %arg9[%swap3A_156], %swap3A_159 {strides = array<i32>} : memref<80xi32, #tpu.memory_space<vmem>>, vector<16xi32>,
      %get3A_160 = arith.constant 32 : index
      %get3A_161 = tpu.vector_load %arg5[%get3A_160] {strides = array<i32>} : memref<80xi32, #tpu.memory_space<vmem>>, vector<16xi32>,
      %get3A_162 = vector.shape_cast %get3A_161 : vector<16xi32> to vector<16xi32>
      %shift_right_arithmetic3A_163 = arith.constant 16 : i32
      %shift_right_arithmetic3A_164 = vector.broadcast %shift_right_arithmetic3A_163 : i32 to vector<16xi32>
      %shift_right_arithmetic3A_165 = arith.shrsi %get3A_162, %shift_right_arithmetic3A_164 : vector<16xi32>
      %swap3A_166 = arith.constant 32 : index
      %swap3A_167 = tpu.vector_load %arg8[%swap3A_166] {strides = array<i32>} : memref<80xi32, #tpu.memory_space<vmem>>, vector<16xi32>,
      %swap3A_168 = vector.shape_cast %swap3A_167 : vector<16xi32> to vector<16xi32>
      %swap3A_169 = vector.shape_cast %shift_right_arithmetic3A_165 : vector<16xi32> to vector<16xi32>
      tpu.vector_store %arg8[%swap3A_166], %swap3A_169 {strides = array<i32>} : memref<80xi32, #tpu.memory_space<vmem>>, vector<16xi32>,
      %and3A_170 = arith.constant 65535 : i32
      %and3A_171 = vector.broadcast %and3A_170 : i32 to vector<16xi32>
      %and3A_172 = arith.andi %get3A_162, %and3A_171 : vector<16xi32>
      %swap3A_173 = arith.constant 32 : index
      %swap3A_174 = tpu.vector_load %arg9[%swap3A_173] {strides = array<i32>} : memref<80xi32, #tpu.memory_space<vmem>>, vector<16xi32>,
      %swap3A_175 = vector.shape_cast %swap3A_174 : vector<16xi32> to vector<16xi32>
      %swap3A_176 = vector.shape_cast %and3A_172 : vector<16xi32> to vector<16xi32>
      tpu.vector_store %arg9[%swap3A_173], %swap3A_176 {strides = array<i32>} : memref<80xi32, #tpu.memory_space<vmem>>, vector<16xi32>,
      %get3A_177 = arith.constant 48 : index
      %get3A_178 = tpu.vector_load %arg5[%get3A_177] {strides = array<i32>} : memref<80xi32, #tpu.memory_space<vmem>>, vector<16xi32>,
      %get3A_179 = vector.shape_cast %get3A_178 : vector<16xi32> to vector<16xi32>
      %shift_right_arithmetic3A_180 = arith.constant 16 : i32
      %shift_right_arithmetic3A_181 = vector.broadcast %shift_right_arithmetic3A_180 : i32 to vector<16xi32>
      %shift_right_arithmetic3A_182 = arith.shrsi %get3A_179, %shift_right_arithmetic3A_181 : vector<16xi32>
      %swap3A_183 = arith.constant 48 : index
      %swap3A_184 = tpu.vector_load %arg8[%swap3A_183] {strides = array<i32>} : memref<80xi32, #tpu.memory_space<vmem>>, vector<16xi32>,
      %swap3A_185 = vector.shape_cast %swap3A_184 : vector<16xi32> to vector<16xi32>
      %swap3A_186 = vector.shape_cast %shift_right_arithmetic3A_182 : vector<16xi32> to vector<16xi32>
      tpu.vector_store %arg8[%swap3A_183], %swap3A_186 {strides = array<i32>} : memref<80xi32, #tpu.memory_space<vmem>>, vector<16xi32>,
      %and3A_187 = arith.constant 65535 : i32
      %and3A_188 = vector.broadcast %and3A_187 : i32 to vector<16xi32>
      %and3A_189 = arith.andi %get3A_179, %and3A_188 : vector<16xi32>
      %swap3A_190 = arith.constant 48 : index
      %swap3A_191 = tpu.vector_load %arg9[%swap3A_190] {strides = array<i32>} : memref<80xi32, #tpu.memory_space<vmem>>, vector<16xi32>,
      %swap3A_192 = vector.shape_cast %swap3A_191 : vector<16xi32> to vector<16xi32>
      %swap3A_193 = vector.shape_cast %and3A_189 : vector<16xi32> to vector<16xi32>
      tpu.vector_store %arg9[%swap3A_190], %swap3A_193 {strides = array<i32>} : memref<80xi32, #tpu.memory_space<vmem>>, vector<16xi32>,
      %get3A_194 = arith.constant 64 : index
      %get3A_195 = tpu.vector_load %arg5[%get3A_194] {strides = array<i32>} : memref<80xi32, #tpu.memory_space<vmem>>, vector<16xi32>,
      %get3A_196 = vector.shape_cast %get3A_195 : vector<16xi32> to vector<16xi32>
      %shift_right_arithmetic3A_197 = arith.constant 16 : i32
      %shift_right_arithmetic3A_198 = vector.broadcast %shift_right_arithmetic3A_197 : i32 to vector<16xi32>
      %shift_right_arithmetic3A_199 = arith.shrsi %get3A_196, %shift_right_arithmetic3A_198 : vector<16xi32>
      %swap3A_200 = arith.constant 64 : index
      %swap3A_201 = tpu.vector_load %arg8[%swap3A_200] {strides = array<i32>} : memref<80xi32, #tpu.memory_space<vmem>>, vector<16xi32>,
      %swap3A_202 = vector.shape_cast %swap3A_201 : vector<16xi32> to vector<16xi32>
      %swap3A_203 = vector.shape_cast %shift_right_arithmetic3A_199 : vector<16xi32> to vector<16xi32>
      tpu.vector_store %arg8[%swap3A_200], %swap3A_203 {strides = array<i32>} : memref<80xi32, #tpu.memory_space<vmem>>, vector<16xi32>,
      %and3A_204 = arith.constant 65535 : i32
      %and3A_205 = vector.broadcast %and3A_204 : i32 to vector<16xi32>
      %and3A_206 = arith.andi %get3A_196, %and3A_205 : vector<16xi32>
      %swap3A_207 = arith.constant 64 : index
      %swap3A_208 = tpu.vector_load %arg9[%swap3A_207] {strides = array<i32>} : memref<80xi32, #tpu.memory_space<vmem>>, vector<16xi32>,
      %swap3A_209 = vector.shape_cast %swap3A_208 : vector<16xi32> to vector<16xi32>
      %swap3A_210 = vector.shape_cast %and3A_206 : vector<16xi32> to vector<16xi32>
      tpu.vector_store %arg9[%swap3A_207], %swap3A_210 {strides = array<i32>} : memref<80xi32, #tpu.memory_space<vmem>>, vector<16xi32>,
      %dma_start3A_211 = arith.constant 0 : i32
      %dma_start3A_212 = arith.constant 0 : i32
      %dma_start3A_213 = tpu.memref_slice %arg3[%dma_start3A_211, %dma_start3A_212] : memref<10000x128xf32, #tpu.memory_space<hbm>> -> memref<10000x128xf32, #tpu.memory_space<hbm>>
      tpu.enqueue_indirect_dma source(%dma_start3A_213 : memref<10000x128xf32, #tpu.memory_space<hbm>>) target(%arg11 : memref<80x128xf32, #tpu.memory_space<vmem>>) offsets(%arg8 : memref<80xi32, #tpu.memory_space<vmem>>) semaphore(%arg14 : memref<!tpu.dma_semaphore, #tpu.memory_space<semaphore_mem>>)
      "tpu.region"() ({
        %run_scoped3A = tpu.sem_alloc : memref<!tpu.dma_semaphore, #tpu.memory_space<semaphore_mem>>
        %dma_start3A_315 = arith.constant 0 : i32
        %dma_start3A_316 = arith.constant 0 : i32
        %dma_start3A_317 = tpu.memref_slice %arg12[%dma_start3A_315, %dma_start3A_316] : memref<10240x128xf32, #tpu.memory_space<vmem_shared>> -> memref<10240x128xf32, #tpu.memory_space<vmem_shared>>
        tpu.enqueue_indirect_dma source(%arg10 : memref<80x128xf32, #tpu.memory_space<vmem>>) target(%dma_start3A_317 : memref<10240x128xf32, #tpu.memory_space<vmem_shared>>) offsets(%arg7 : memref<80xi32, #tpu.memory_space<vmem>>) semaphore(%run_scoped3A : memref<!tpu.dma_semaphore, #tpu.memory_space<semaphore_mem>>) {add = true}
        %dma_wait3A_318 = arith.constant 0 : i32
        %dma_wait3A_319 = arith.constant 0 : i32
        %dma_wait3A_320 = tpu.memref_slice %arg12[%dma_wait3A_318, %dma_wait3A_319] : memref<10240x128xf32, #tpu.memory_space<vmem_shared>> -> memref<10240x128xf32, #tpu.memory_space<vmem_shared>>
        tpu.wait_indirect_dma semaphore(%run_scoped3A : memref<!tpu.dma_semaphore, #tpu.memory_space<semaphore_mem>>) src(%arg10 : memref<80x128xf32, #tpu.memory_space<vmem>>) dst(%dma_wait3A_320 : memref<10240x128xf32, #tpu.memory_space<vmem_shared>>)
        tpu.yield
      }) : () -> ()
      %dma_wait3A_214 = arith.constant 0 : i32
      %dma_wait3A_215 = arith.constant 0 : i32
      %dma_wait3A_216 = tpu.memref_slice %arg3[%dma_wait3A_214, %dma_wait3A_215] : memref<10000x128xf32, #tpu.memory_space<hbm>> -> memref<10000x128xf32, #tpu.memory_space<hbm>>
      tpu.wait_indirect_dma semaphore(%arg14 : memref<!tpu.dma_semaphore, #tpu.memory_space<semaphore_mem>>) src(%dma_wait3A_216 : memref<10000x128xf32, #tpu.memory_space<hbm>>) dst(%arg11 : memref<80x128xf32, #tpu.memory_space<vmem>>)
      %add3A_217 = arith.constant 2 : i32
      %add3A_218 = arith.addi %mul3A_119, %add3A_217 : i32
      %mul3A_219 = arith.constant 80 : i32
      %mul3A_220 = arith.muli %add3A_218, %mul3A_219 : i32
      %add3A_221 = arith.addi %mul3A_2, %mul3A_220 : i32
      %multiple_of3A_222 = tpu.assume_multiple %add3A_221, 8 : i32
      "tpu.region"() ({
        %run_scoped3A = tpu.sem_alloc : memref<!tpu.dma_semaphore, #tpu.memory_space<semaphore_mem>>
        %dma_start3A_315 = tpu.memref_slice %arg2[%multiple_of3A_222] : memref<320000xi32, #tpu.memory_space<hbm>> -> memref<80xi32, #tpu.memory_space<hbm>>
        %dma_start3A_316 = tpu.memref_slice %arg2[%multiple_of3A_222] : memref<320000xi32, #tpu.memory_space<hbm>> -> memref<80xi32, #tpu.memory_space<hbm>>
        tpu.enqueue_dma source(%dma_start3A_316 : memref<80xi32, #tpu.memory_space<hbm>>) target(%arg5 : memref<80xi32, #tpu.memory_space<vmem>>) target_semaphore(%run_scoped3A : memref<!tpu.dma_semaphore, #tpu.memory_space<semaphore_mem>>)
        %dma_wait3A_317 = tpu.memref_slice %arg2[%multiple_of3A_222] : memref<320000xi32, #tpu.memory_space<hbm>> -> memref<80xi32, #tpu.memory_space<hbm>>
        %dma_wait3A_318 = tpu.memref_slice %arg2[%multiple_of3A_222] : memref<320000xi32, #tpu.memory_space<hbm>> -> memref<80xi32, #tpu.memory_space<hbm>>
        tpu.wait_dma2 semaphore(%run_scoped3A : memref<!tpu.dma_semaphore, #tpu.memory_space<semaphore_mem>>) src(%dma_wait3A_318 : memref<80xi32, #tpu.memory_space<hbm>>) dst(%arg5 : memref<80xi32, #tpu.memory_space<vmem>>)
        tpu.yield
      }) : () -> ()
      %get3A_223 = arith.constant 0 : index
      %get3A_224 = tpu.vector_load %arg5[%get3A_223] {strides = array<i32>} : memref<80xi32, #tpu.memory_space<vmem>>, vector<16xi32>,
      %get3A_225 = vector.shape_cast %get3A_224 : vector<16xi32> to vector<16xi32>
      %shift_right_arithmetic3A_226 = arith.constant 16 : i32
      %shift_right_arithmetic3A_227 = vector.broadcast %shift_right_arithmetic3A_226 : i32 to vector<16xi32>
      %shift_right_arithmetic3A_228 = arith.shrsi %get3A_225, %shift_right_arithmetic3A_227 : vector<16xi32>
      %swap3A_229 = arith.constant 0 : index
      %swap3A_230 = tpu.vector_load %arg6[%swap3A_229] {strides = array<i32>} : memref<80xi32, #tpu.memory_space<vmem>>, vector<16xi32>,
      %swap3A_231 = vector.shape_cast %swap3A_230 : vector<16xi32> to vector<16xi32>
      %swap3A_232 = vector.shape_cast %shift_right_arithmetic3A_228 : vector<16xi32> to vector<16xi32>
      tpu.vector_store %arg6[%swap3A_229], %swap3A_232 {strides = array<i32>} : memref<80xi32, #tpu.memory_space<vmem>>, vector<16xi32>,
      %and3A_233 = arith.constant 65535 : i32
      %and3A_234 = vector.broadcast %and3A_233 : i32 to vector<16xi32>
      %and3A_235 = arith.andi %get3A_225, %and3A_234 : vector<16xi32>
      %swap3A_236 = arith.constant 0 : index
      %swap3A_237 = tpu.vector_load %arg7[%swap3A_236] {strides = array<i32>} : memref<80xi32, #tpu.memory_space<vmem>>, vector<16xi32>,
      %swap3A_238 = vector.shape_cast %swap3A_237 : vector<16xi32> to vector<16xi32>
      %swap3A_239 = vector.shape_cast %and3A_235 : vector<16xi32> to vector<16xi32>
      tpu.vector_store %arg7[%swap3A_236], %swap3A_239 {strides = array<i32>} : memref<80xi32, #tpu.memory_space<vmem>>, vector<16xi32>,
      %get3A_240 = arith.constant 16 : index
      %get3A_241 = tpu.vector_load %arg5[%get3A_240] {strides = array<i32>} : memref<80xi32, #tpu.memory_space<vmem>>, vector<16xi32>,
      %get3A_242 = vector.shape_cast %get3A_241 : vector<16xi32> to vector<16xi32>
      %shift_right_arithmetic3A_243 = arith.constant 16 : i32
      %shift_right_arithmetic3A_244 = vector.broadcast %shift_right_arithmetic3A_243 : i32 to vector<16xi32>
      %shift_right_arithmetic3A_245 = arith.shrsi %get3A_242, %shift_right_arithmetic3A_244 : vector<16xi32>
      %swap3A_246 = arith.constant 16 : index
      %swap3A_247 = tpu.vector_load %arg6[%swap3A_246] {strides = array<i32>} : memref<80xi32, #tpu.memory_space<vmem>>, vector<16xi32>,
      %swap3A_248 = vector.shape_cast %swap3A_247 : vector<16xi32> to vector<16xi32>
      %swap3A_249 = vector.shape_cast %shift_right_arithmetic3A_245 : vector<16xi32> to vector<16xi32>
      tpu.vector_store %arg6[%swap3A_246], %swap3A_249 {strides = array<i32>} : memref<80xi32, #tpu.memory_space<vmem>>, vector<16xi32>,
      %and3A_250 = arith.constant 65535 : i32
      %and3A_251 = vector.broadcast %and3A_250 : i32 to vector<16xi32>
      %and3A_252 = arith.andi %get3A_242, %and3A_251 : vector<16xi32>
      %swap3A_253 = arith.constant 16 : index
      %swap3A_254 = tpu.vector_load %arg7[%swap3A_253] {strides = array<i32>} : memref<80xi32, #tpu.memory_space<vmem>>, vector<16xi32>,
      %swap3A_255 = vector.shape_cast %swap3A_254 : vector<16xi32> to vector<16xi32>
      %swap3A_256 = vector.shape_cast %and3A_252 : vector<16xi32> to vector<16xi32>
      tpu.vector_store %arg7[%swap3A_253], %swap3A_256 {strides = array<i32>} : memref<80xi32, #tpu.memory_space<vmem>>, vector<16xi32>,
      %get3A_257 = arith.constant 32 : index
      %get3A_258 = tpu.vector_load %arg5[%get3A_257] {strides = array<i32>} : memref<80xi32, #tpu.memory_space<vmem>>, vector<16xi32>,
      %get3A_259 = vector.shape_cast %get3A_258 : vector<16xi32> to vector<16xi32>
      %shift_right_arithmetic3A_260 = arith.constant 16 : i32
      %shift_right_arithmetic3A_261 = vector.broadcast %shift_right_arithmetic3A_260 : i32 to vector<16xi32>
      %shift_right_arithmetic3A_262 = arith.shrsi %get3A_259, %shift_right_arithmetic3A_261 : vector<16xi32>
      %swap3A_263 = arith.constant 32 : index
      %swap3A_264 = tpu.vector_load %arg6[%swap3A_263] {strides = array<i32>} : memref<80xi32, #tpu.memory_space<vmem>>, vector<16xi32>,
      %swap3A_265 = vector.shape_cast %swap3A_264 : vector<16xi32> to vector<16xi32>
      %swap3A_266 = vector.shape_cast %shift_right_arithmetic3A_262 : vector<16xi32> to vector<16xi32>
      tpu.vector_store %arg6[%swap3A_263], %swap3A_266 {strides = array<i32>} : memref<80xi32, #tpu.memory_space<vmem>>, vector<16xi32>,
      %and3A_267 = arith.constant 65535 : i32
      %and3A_268 = vector.broadcast %and3A_267 : i32 to vector<16xi32>
      %and3A_269 = arith.andi %get3A_259, %and3A_268 : vector<16xi32>
      %swap3A_270 = arith.constant 32 : index
      %swap3A_271 = tpu.vector_load %arg7[%swap3A_270] {strides = array<i32>} : memref<80xi32, #tpu.memory_space<vmem>>, vector<16xi32>,
      %swap3A_272 = vector.shape_cast %swap3A_271 : vector<16xi32> to vector<16xi32>
      %swap3A_273 = vector.shape_cast %and3A_269 : vector<16xi32> to vector<16xi32>
      tpu.vector_store %arg7[%swap3A_270], %swap3A_273 {strides = array<i32>} : memref<80xi32, #tpu.memory_space<vmem>>, vector<16xi32>,
      %get3A_274 = arith.constant 48 : index
      %get3A_275 = tpu.vector_load %arg5[%get3A_274] {strides = array<i32>} : memref<80xi32, #tpu.memory_space<vmem>>, vector<16xi32>,
      %get3A_276 = vector.shape_cast %get3A_275 : vector<16xi32> to vector<16xi32>
      %shift_right_arithmetic3A_277 = arith.constant 16 : i32
      %shift_right_arithmetic3A_278 = vector.broadcast %shift_right_arithmetic3A_277 : i32 to vector<16xi32>
      %shift_right_arithmetic3A_279 = arith.shrsi %get3A_276, %shift_right_arithmetic3A_278 : vector<16xi32>
      %swap3A_280 = arith.constant 48 : index
      %swap3A_281 = tpu.vector_load %arg6[%swap3A_280] {strides = array<i32>} : memref<80xi32, #tpu.memory_space<vmem>>, vector<16xi32>,
      %swap3A_282 = vector.shape_cast %swap3A_281 : vector<16xi32> to vector<16xi32>
      %swap3A_283 = vector.shape_cast %shift_right_arithmetic3A_279 : vector<16xi32> to vector<16xi32>
      tpu.vector_store %arg6[%swap3A_280], %swap3A_283 {strides = array<i32>} : memref<80xi32, #tpu.memory_space<vmem>>, vector<16xi32>,
      %and3A_284 = arith.constant 65535 : i32
      %and3A_285 = vector.broadcast %and3A_284 : i32 to vector<16xi32>
      %and3A_286 = arith.andi %get3A_276, %and3A_285 : vector<16xi32>
      %swap3A_287 = arith.constant 48 : index
      %swap3A_288 = tpu.vector_load %arg7[%swap3A_287] {strides = array<i32>} : memref<80xi32, #tpu.memory_space<vmem>>, vector<16xi32>,
      %swap3A_289 = vector.shape_cast %swap3A_288 : vector<16xi32> to vector<16xi32>
      %swap3A_290 = vector.shape_cast %and3A_286 : vector<16xi32> to vector<16xi32>
      tpu.vector_store %arg7[%swap3A_287], %swap3A_290 {strides = array<i32>} : memref<80xi32, #tpu.memory_space<vmem>>, vector<16xi32>,
      %get3A_291 = arith.constant 64 : index
      %get3A_292 = tpu.vector_load %arg5[%get3A_291] {strides = array<i32>} : memref<80xi32, #tpu.memory_space<vmem>>, vector<16xi32>,
      %get3A_293 = vector.shape_cast %get3A_292 : vector<16xi32> to vector<16xi32>
      %shift_right_arithmetic3A_294 = arith.constant 16 : i32
      %shift_right_arithmetic3A_295 = vector.broadcast %shift_right_arithmetic3A_294 : i32 to vector<16xi32>
      %shift_right_arithmetic3A_296 = arith.shrsi %get3A_293, %shift_right_arithmetic3A_295 : vector<16xi32>
      %swap3A_297 = arith.constant 64 : index
      %swap3A_298 = tpu.vector_load %arg6[%swap3A_297] {strides = array<i32>} : memref<80xi32, #tpu.memory_space<vmem>>, vector<16xi32>,
      %swap3A_299 = vector.shape_cast %swap3A_298 : vector<16xi32> to vector<16xi32>
      %swap3A_300 = vector.shape_cast %shift_right_arithmetic3A_296 : vector<16xi32> to vector<16xi32>
      tpu.vector_store %arg6[%swap3A_297], %swap3A_300 {strides = array<i32>} : memref<80xi32, #tpu.memory_space<vmem>>, vector<16xi32>,
      %and3A_301 = arith.constant 65535 : i32
      %and3A_302 = vector.broadcast %and3A_301 : i32 to vector<16xi32>
      %and3A_303 = arith.andi %get3A_293, %and3A_302 : vector<16xi32>
      %swap3A_304 = arith.constant 64 : index
      %swap3A_305 = tpu.vector_load %arg7[%swap3A_304] {strides = array<i32>} : memref<80xi32, #tpu.memory_space<vmem>>, vector<16xi32>,
      %swap3A_306 = vector.shape_cast %swap3A_305 : vector<16xi32> to vector<16xi32>
      %swap3A_307 = vector.shape_cast %and3A_303 : vector<16xi32> to vector<16xi32>
      tpu.vector_store %arg7[%swap3A_304], %swap3A_307 {strides = array<i32>} : memref<80xi32, #tpu.memory_space<vmem>>, vector<16xi32>,
      %dma_start3A_308 = arith.constant 0 : i32
      %dma_start3A_309 = arith.constant 0 : i32
      %dma_start3A_310 = tpu.memref_slice %arg3[%dma_start3A_308, %dma_start3A_309] : memref<10000x128xf32, #tpu.memory_space<hbm>> -> memref<10000x128xf32, #tpu.memory_space<hbm>>
      tpu.enqueue_indirect_dma source(%dma_start3A_310 : memref<10000x128xf32, #tpu.memory_space<hbm>>) target(%arg10 : memref<80x128xf32, #tpu.memory_space<vmem>>) offsets(%arg6 : memref<80xi32, #tpu.memory_space<vmem>>) semaphore(%arg13 : memref<!tpu.dma_semaphore, #tpu.memory_space<semaphore_mem>>)
      "tpu.region"() ({
        %run_scoped3A = tpu.sem_alloc : memref<!tpu.dma_semaphore, #tpu.memory_space<semaphore_mem>>
        %dma_start3A_315 = arith.constant 0 : i32
        %dma_start3A_316 = arith.constant 0 : i32
        %dma_start3A_317 = tpu.memref_slice %arg12[%dma_start3A_315, %dma_start3A_316] : memref<10240x128xf32, #tpu.memory_space<vmem_shared>> -> memref<10240x128xf32, #tpu.memory_space<vmem_shared>>
        tpu.enqueue_indirect_dma source(%arg11 : memref<80x128xf32, #tpu.memory_space<vmem>>) target(%dma_start3A_317 : memref<10240x128xf32, #tpu.memory_space<vmem_shared>>) offsets(%arg9 : memref<80xi32, #tpu.memory_space<vmem>>) semaphore(%run_scoped3A : memref<!tpu.dma_semaphore, #tpu.memory_space<semaphore_mem>>) {add = true}
        %dma_wait3A_318 = arith.constant 0 : i32
        %dma_wait3A_319 = arith.constant 0 : i32
        %dma_wait3A_320 = tpu.memref_slice %arg12[%dma_wait3A_318, %dma_wait3A_319] : memref<10240x128xf32, #tpu.memory_space<vmem_shared>> -> memref<10240x128xf32, #tpu.memory_space<vmem_shared>>
        tpu.wait_indirect_dma semaphore(%run_scoped3A : memref<!tpu.dma_semaphore, #tpu.memory_space<semaphore_mem>>) src(%arg11 : memref<80x128xf32, #tpu.memory_space<vmem>>) dst(%dma_wait3A_320 : memref<10240x128xf32, #tpu.memory_space<vmem_shared>>)
        tpu.yield
      }) : () -> ()
      %dma_wait3A_311 = arith.constant 0 : i32
      %dma_wait3A_312 = arith.constant 0 : i32
      %dma_wait3A_313 = tpu.memref_slice %arg3[%dma_wait3A_311, %dma_wait3A_312] : memref<10000x128xf32, #tpu.memory_space<hbm>> -> memref<10000x128xf32, #tpu.memory_space<hbm>>
      tpu.wait_indirect_dma semaphore(%arg13 : memref<!tpu.dma_semaphore, #tpu.memory_space<semaphore_mem>>) src(%dma_wait3A_313 : memref<10000x128xf32, #tpu.memory_space<hbm>>) dst(%arg10 : memref<80x128xf32, #tpu.memory_space<vmem>>)
      %scan3A_314 = arith.constant 0 : i32
      scf.yield %scan3A_314 : i32
    }
    %scan3A_110 = arith.constant 62 : i32
    "tpu.region"() ({
      %run_scoped3A = tpu.sem_alloc : memref<!tpu.dma_semaphore, #tpu.memory_space<semaphore_mem>>
      %dma_start3A_116 = arith.constant 0 : i32
      %dma_start3A_117 = arith.constant 0 : i32
      %dma_start3A_118 = tpu.memref_slice %arg12[%dma_start3A_116, %dma_start3A_117] : memref<10240x128xf32, #tpu.memory_space<vmem_shared>> -> memref<10240x128xf32, #tpu.memory_space<vmem_shared>>
      tpu.enqueue_indirect_dma source(%arg10 : memref<80x128xf32, #tpu.memory_space<vmem>>) target(%dma_start3A_118 : memref<10240x128xf32, #tpu.memory_space<vmem_shared>>) offsets(%arg7 : memref<80xi32, #tpu.memory_space<vmem>>) semaphore(%run_scoped3A : memref<!tpu.dma_semaphore, #tpu.memory_space<semaphore_mem>>) {add = true}
      %dma_wait3A_119 = arith.constant 0 : i32
      %dma_wait3A_120 = arith.constant 0 : i32
      %dma_wait3A_121 = tpu.memref_slice %arg12[%dma_wait3A_119, %dma_wait3A_120] : memref<10240x128xf32, #tpu.memory_space<vmem_shared>> -> memref<10240x128xf32, #tpu.memory_space<vmem_shared>>
      tpu.wait_indirect_dma semaphore(%run_scoped3A : memref<!tpu.dma_semaphore, #tpu.memory_space<semaphore_mem>>) src(%arg10 : memref<80x128xf32, #tpu.memory_space<vmem>>) dst(%dma_wait3A_121 : memref<10240x128xf32, #tpu.memory_space<vmem_shared>>)
      tpu.yield
    }) : () -> ()
    %barrier3A_111 = arith.constant 0 : index
    tpu.barrier barrier_id(%barrier3A_111)
    %mul3A_112 = arith.constant 640 : i32
    %mul3A_113 = arith.muli %arg1, %mul3A_112 : i32
    %mul3A_114 = arith.constant 640 : i32
    %mul3A_115 = arith.muli %arg1, %mul3A_114 : i32
    "tpu.region"() ({
      %run_scoped3A = tpu.sem_alloc : memref<!tpu.dma_semaphore, #tpu.memory_space<semaphore_mem>>
      %dma_start3A_116 = arith.constant 0 : i32
      %dma_start3A_117 = tpu.memref_slice %arg4[%arg0, %mul3A_115, %dma_start3A_116] : memref<2x10240x128xf32, #tpu.memory_space<hbm>> -> memref<1x640x128xf32, #tpu.memory_space<hbm>>
      %dma_start3A_118 = tpu.memref_squeeze %dma_start3A_117 : memref<1x640x128xf32, #tpu.memory_space<hbm>> -> memref<640x128xf32, #tpu.memory_space<hbm>>
      %dma_start3A_119 = arith.constant 0 : i32
      %dma_start3A_120 = tpu.memref_slice %arg12[%mul3A_113, %dma_start3A_119] : memref<10240x128xf32, #tpu.memory_space<vmem_shared>> -> memref<640x128xf32, #tpu.memory_space<vmem_shared>>
      tpu.enqueue_dma source(%dma_start3A_120 : memref<640x128xf32, #tpu.memory_space<vmem_shared>>) target(%dma_start3A_118 : memref<640x128xf32, #tpu.memory_space<hbm>>) target_semaphore(%run_scoped3A : memref<!tpu.dma_semaphore, #tpu.memory_space<semaphore_mem>>)
      %dma_wait3A_121 = arith.constant 0 : i32
      %dma_wait3A_122 = tpu.memref_slice %arg4[%arg0, %mul3A_115, %dma_wait3A_121] : memref<2x10240x128xf32, #tpu.memory_space<hbm>> -> memref<1x640x128xf32, #tpu.memory_space<hbm>>
      %dma_wait3A_123 = tpu.memref_squeeze %dma_wait3A_122 : memref<1x640x128xf32, #tpu.memory_space<hbm>> -> memref<640x128xf32, #tpu.memory_space<hbm>>
      %dma_wait3A_124 = arith.constant 0 : i32
      %dma_wait3A_125 = tpu.memref_slice %arg12[%mul3A_113, %dma_wait3A_124] : memref<10240x128xf32, #tpu.memory_space<vmem_shared>> -> memref<640x128xf32, #tpu.memory_space<vmem_shared>>
      tpu.wait_dma2 semaphore(%run_scoped3A : memref<!tpu.dma_semaphore, #tpu.memory_space<semaphore_mem>>) src(%dma_wait3A_125 : memref<640x128xf32, #tpu.memory_space<vmem_shared>>) dst(%dma_wait3A_123 : memref<640x128xf32, #tpu.memory_space<hbm>>)
      tpu.yield
    }) : () -> ()
    return
  }
}

module attributes {stable_mosaic.version = 14 : i64} {
  func.func @_prep_kernel(%arg0: i32, %arg1: memref<2000x128xf32, #tpu.memory_space<vmem>>, %arg2: memref<128x128xf32, #tpu.memory_space<vmem>>, %arg3: memref<2000x2xf32, #tpu.memory_space<vmem>>, %arg4: memref<1x128xf32, #tpu.memory_space<vmem>>, %arg5: memref<2x64000xi32, #tpu.memory_space<vmem>>, %arg6: memref<2000x128xf32, #tpu.memory_space<vmem>>, %arg7: memref<2000x128xf32, #tpu.memory_space<vmem>>, %arg8: memref<2000x1xf32, #tpu.memory_space<vmem>>, %arg9: memref<1x64000xi32, #tpu.memory_space<vmem>>) attributes {dimension_semantics = [#tpu.dimension_semantics<arbitrary>], iteration_bounds = array<i64: 5>, scalar_prefetch = 0 : i64, scratch_operands = 0 : i64, tpu.core_type = #tpu.core_type<tc>, window_params = [{transform_indices = @transform_0, window_bounds = array<i64: 2000, 128>}, {pipeline_mode = #tpu.pipeline_mode<synchronous>, transform_indices = @transform_1, window_bounds = array<i64: 128, 128>}, {transform_indices = @transform_2, window_bounds = array<i64: 2000, 2>}, {pipeline_mode = #tpu.pipeline_mode<synchronous>, transform_indices = @transform_3, window_bounds = array<i64: 1, 128>}, {transform_indices = @transform_4, window_bounds = array<i64: 2, 64000>}, {transform_indices = @transform_5, window_bounds = array<i64: 2000, 128>}, {transform_indices = @transform_6, window_bounds = array<i64: 2000, 128>}, {transform_indices = @transform_7, window_bounds = array<i64: 2000, 1>}, {transform_indices = @transform_8, window_bounds = array<i64: 1, 64000>}]} {
    %get3A = arith.constant 0 : index
    %get3A_0 = arith.constant 0 : index
    %get3A_1 = vector.load %arg3[%get3A, %get3A_0] : memref<2000x2xf32, #tpu.memory_space<vmem>>, vector<2000x1xf32>
    %get3A_2 = arith.constant 0 : index
    %get3A_3 = arith.constant 1 : index
    %get3A_4 = vector.load %arg3[%get3A_2, %get3A_3] : memref<2000x2xf32, #tpu.memory_space<vmem>>, vector<2000x1xf32>
    %add3A = arith.addf %get3A_1, %get3A_4 : vector<2000x1xf32>
    %add3A_5 = arith.constant 1.000000e+00 : f32
    %add3A_6 = vector.broadcast %add3A_5 : f32 to vector<2000x1xf32>
    %add3A_7 = arith.addf %add3A, %add3A_6 : vector<2000x1xf32>
    %get3A_8 = arith.constant 0 : index
    %get3A_9 = arith.constant 0 : index
    %get3A_10 = vector.load %arg1[%get3A_8, %get3A_9] : memref<2000x128xf32, #tpu.memory_space<vmem>>, vector<2000x128xf32>
    %get3A_11 = arith.constant 0 : index
    %get3A_12 = arith.constant 0 : index
    %get3A_13 = vector.load %arg2[%get3A_11, %get3A_12] : memref<128x128xf32, #tpu.memory_space<vmem>>, vector<128x128xf32>
    %dot_general3A = arith.constant dense<0.000000e+00> : vector<2000x128xf32>
    %dot_general3A_14 = tpu.matmul %get3A_10, %get3A_13, %dot_general3A {dimension_numbers = #tpu.dot_dimension_numbers<[1], [0], [0], [1], [0, 0, 1, 1], [], []>, transpose_lhs_hint = false} : vector<2000x128xf32>, vector<128x128xf32>, vector<2000x128xf32> -> vector<2000x128xf32>
    %rsqrt3A = math.rsqrt %add3A_7 : vector<2000x1xf32>
    %mul3A = vector.broadcast %rsqrt3A : vector<2000x1xf32> to vector<2000x128xf32>
    %mul3A_15 = arith.mulf %dot_general3A_14, %mul3A : vector<2000x128xf32>
    %swap3A = arith.constant 0 : index
    %swap3A_16 = arith.constant 0 : index
    %swap3A_17 = vector.load %arg6[%swap3A, %swap3A_16] : memref<2000x128xf32, #tpu.memory_space<vmem>>, vector<2000x128xf32>
    tpu.vector_store %arg6[%swap3A, %swap3A_16], %mul3A_15 {strides = array<i32>} : memref<2000x128xf32, #tpu.memory_space<vmem>>, vector<2000x128xf32>,
    %div3A = vector.broadcast %add3A_7 : vector<2000x1xf32> to vector<2000x128xf32>
    %div3A_18 = arith.divf %dot_general3A_14, %div3A : vector<2000x128xf32>
    %get3A_19 = arith.constant 0 : index
    %get3A_20 = arith.constant 0 : index
    %get3A_21 = vector.load %arg4[%get3A_19, %get3A_20] : memref<1x128xf32, #tpu.memory_space<vmem>>, vector<1x128xf32>
    %add3A_22 = vector.broadcast %get3A_21 : vector<1x128xf32> to vector<2000x128xf32>
    %add3A_23 = arith.addf %div3A_18, %add3A_22 : vector<2000x128xf32>
    %swap3A_24 = arith.constant 0 : index
    %swap3A_25 = arith.constant 0 : index
    %swap3A_26 = vector.load %arg7[%swap3A_24, %swap3A_25] : memref<2000x128xf32, #tpu.memory_space<vmem>>, vector<2000x128xf32>
    tpu.vector_store %arg7[%swap3A_24, %swap3A_25], %add3A_23 {strides = array<i32>} : memref<2000x128xf32, #tpu.memory_space<vmem>>, vector<2000x128xf32>,
    %swap3A_27 = arith.constant 0 : index
    %swap3A_28 = arith.constant 0 : index
    %swap3A_29 = vector.load %arg8[%swap3A_27, %swap3A_28] : memref<2000x1xf32, #tpu.memory_space<vmem>>, vector<2000x1xf32>
    tpu.vector_store %arg8[%swap3A_27, %swap3A_28], %rsqrt3A {strides = array<i32>} : memref<2000x1xf32, #tpu.memory_space<vmem>>, vector<2000x1xf32>,
    %get3A_30 = arith.constant 0 : index
    %get3A_31 = arith.constant 0 : index
    %get3A_32 = vector.load %arg5[%get3A_30, %get3A_31] : memref<2x64000xi32, #tpu.memory_space<vmem>>, vector<1x64000xi32>
    %shift_left3A = arith.constant 16 : i32
    %shift_left3A_33 = vector.broadcast %shift_left3A : i32 to vector<1x64000xi32>
    %shift_left3A_34 = arith.shli %get3A_32, %shift_left3A_33 : vector<1x64000xi32>
    %get3A_35 = arith.constant 1 : index
    %get3A_36 = arith.constant 0 : index
    %get3A_37 = vector.load %arg5[%get3A_35, %get3A_36] : memref<2x64000xi32, #tpu.memory_space<vmem>>, vector<1x64000xi32>
    %or3A = arith.ori %shift_left3A_34, %get3A_37 : vector<1x64000xi32>
    %swap3A_38 = arith.constant 0 : index
    %swap3A_39 = arith.constant 0 : index
    %swap3A_40 = vector.load %arg9[%swap3A_38, %swap3A_39] : memref<1x64000xi32, #tpu.memory_space<vmem>>, vector<1x64000xi32>
    tpu.vector_store %arg9[%swap3A_38, %swap3A_39], %or3A {strides = array<i32>} : memref<1x64000xi32, #tpu.memory_space<vmem>>, vector<1x64000xi32>,
    return
  }
  func.func @transform_0(%arg0: i32) -> (i32, i32) {
    %c0_i32 = arith.constant 0 : i32
    %c0_i32_0 = arith.constant 0 : i32
    return %arg0, %c0_i32 : i32, i32
  }
  func.func @transform_1(%arg0: i32) -> (i32, i32) {
    %c0_i32 = arith.constant 0 : i32
    %c0_i32_0 = arith.constant 0 : i32
    %c0_i32_1 = arith.constant 0 : i32
    return %c0_i32, %c0_i32_0 : i32, i32
  }
  func.func @transform_2(%arg0: i32) -> (i32, i32) {
    %c0_i32 = arith.constant 0 : i32
    %c0_i32_0 = arith.constant 0 : i32
    return %arg0, %c0_i32 : i32, i32
  }
  func.func @transform_3(%arg0: i32) -> (i32, i32) {
    %c0_i32 = arith.constant 0 : i32
    %c0_i32_0 = arith.constant 0 : i32
    %c0_i32_1 = arith.constant 0 : i32
    return %c0_i32, %c0_i32_0 : i32, i32
  }
  func.func @transform_4(%arg0: i32) -> (i32, i32) {
    %c0_i32 = arith.constant 0 : i32
    %c0_i32_0 = arith.constant 0 : i32
    return %c0_i32, %arg0 : i32, i32
  }
  func.func @transform_5(%arg0: i32) -> (i32, i32) {
    %c0_i32 = arith.constant 0 : i32
    %c0_i32_0 = arith.constant 0 : i32
    return %arg0, %c0_i32 : i32, i32
  }
  func.func @transform_6(%arg0: i32) -> (i32, i32) {
    %c0_i32 = arith.constant 0 : i32
    %c0_i32_0 = arith.constant 0 : i32
    return %arg0, %c0_i32 : i32, i32
  }
  func.func @transform_7(%arg0: i32) -> (i32, i32) {
    %c0_i32 = arith.constant 0 : i32
    %c0_i32_0 = arith.constant 0 : i32
    return %arg0, %c0_i32 : i32, i32
  }
  func.func @transform_8(%arg0: i32) -> (i32, i32) {
    %c0_i32 = arith.constant 0 : i32
    %c0_i32_0 = arith.constant 0 : i32
    return %c0_i32, %arg0 : i32, i32
  }
}

module attributes {stable_mosaic.version = 14 : i64} {
  func.func @_final_kernel(%arg0: i32, %arg1: memref<2000x128xf32, #tpu.memory_space<vmem>>, %arg2: memref<2000x128xf32, #tpu.memory_space<vmem>>, %arg3: memref<2000x1xf32, #tpu.memory_space<vmem>>, %arg4: memref<2000x128xf32, #tpu.memory_space<vmem>>, %arg5: memref<2000x128xf32, #tpu.memory_space<vmem>>) attributes {dimension_semantics = [#tpu.dimension_semantics<arbitrary>], iteration_bounds = array<i64: 5>, scalar_prefetch = 0 : i64, scratch_operands = 0 : i64, tpu.core_type = #tpu.core_type<tc>, window_params = [{transform_indices = @transform_0, window_bounds = array<i64: 2000, 128>}, {transform_indices = @transform_1, window_bounds = array<i64: 2000, 128>}, {transform_indices = @transform_2, window_bounds = array<i64: 2000, 1>}, {transform_indices = @transform_3, window_bounds = array<i64: 2000, 128>}, {transform_indices = @transform_4, window_bounds = array<i64: 2000, 128>}]} {
    %get3A = arith.constant 0 : index
    %get3A_0 = arith.constant 0 : index
    %get3A_1 = vector.load %arg1[%get3A, %get3A_0] : memref<2000x128xf32, #tpu.memory_space<vmem>>, vector<2000x128xf32>
    %get3A_2 = arith.constant 0 : index
    %get3A_3 = arith.constant 0 : index
    %get3A_4 = vector.load %arg2[%get3A_2, %get3A_3] : memref<2000x128xf32, #tpu.memory_space<vmem>>, vector<2000x128xf32>
    %add3A = arith.addf %get3A_1, %get3A_4 : vector<2000x128xf32>
    %get3A_5 = arith.constant 0 : index
    %get3A_6 = arith.constant 0 : index
    %get3A_7 = vector.load %arg3[%get3A_5, %get3A_6] : memref<2000x1xf32, #tpu.memory_space<vmem>>, vector<2000x1xf32>
    %mul3A = vector.broadcast %get3A_7 : vector<2000x1xf32> to vector<2000x128xf32>
    %mul3A_8 = arith.mulf %add3A, %mul3A : vector<2000x128xf32>
    %get3A_9 = arith.constant 0 : index
    %get3A_10 = arith.constant 0 : index
    %get3A_11 = vector.load %arg4[%get3A_9, %get3A_10] : memref<2000x128xf32, #tpu.memory_space<vmem>>, vector<2000x128xf32>
    %add3A_12 = arith.addf %mul3A_8, %get3A_11 : vector<2000x128xf32>
    %swap3A = arith.constant 0 : index
    %swap3A_13 = arith.constant 0 : index
    %swap3A_14 = vector.load %arg5[%swap3A, %swap3A_13] : memref<2000x128xf32, #tpu.memory_space<vmem>>, vector<2000x128xf32>
    tpu.vector_store %arg5[%swap3A, %swap3A_13], %add3A_12 {strides = array<i32>} : memref<2000x128xf32, #tpu.memory_space<vmem>>, vector<2000x128xf32>,
    return
  }
  func.func @transform_0(%arg0: i32) -> (i32, i32) {
    %c0_i32 = arith.constant 0 : i32
    %c0_i32_0 = arith.constant 0 : i32
    return %arg0, %c0_i32 : i32, i32
  }
  func.func @transform_1(%arg0: i32) -> (i32, i32) {
    %c0_i32 = arith.constant 0 : i32
    %c0_i32_0 = arith.constant 0 : i32
    return %arg0, %c0_i32 : i32, i32
  }
  func.func @transform_2(%arg0: i32) -> (i32, i32) {
    %c0_i32 = arith.constant 0 : i32
    %c0_i32_0 = arith.constant 0 : i32
    return %arg0, %c0_i32 : i32, i32
  }
  func.func @transform_3(%arg0: i32) -> (i32, i32) {
    %c0_i32 = arith.constant 0 : i32
    %c0_i32_0 = arith.constant 0 : i32
    return %arg0, %c0_i32 : i32, i32
  }
  func.func @transform_4(%arg0: i32) -> (i32, i32) {
    %c0_i32 = arith.constant 0 : i32
    %c0_i32_0 = arith.constant 0 : i32
    return %arg0, %c0_i32 : i32, i32
  }
}

</mosaic_0001>

<sc_bundles>
// kernel: kernel.6.cloned.1.call-start
scs
__scs_entry_jumppad:
0x0: {  	(pc) =	sbr.rel $0x88, $3  }
0x1: {  	(tag) =	ssettag $0x0;
	lr =	simm.s32 $0x1  }
0x2: {  	[smem:$0x3F9D] =	sst lr;
	_ =	strace $0xD0000000  }
0x3: {  	_ = 	snop  }
0x4: {  	_ = 	snop  }
0x5: {  	_ = 	snop  }
0x6: {  	_ = 	snop  }
0x7: {  	_ = 	snop  }
__scs_overlays_trampoline_lowered:
0x8: {  	[smem:$0x3FAC] =	sst s0  }
0x9: {  	[smem:$0x3FAD] =	sst s1  }
0xa: {  	[smem:$0x3FAE] =	sst s2  }
0xb: {  	[smem:$0x3FAF] =	sst s3  }
0xc: {  	[smem:$0x3FB0] =	sst s4  }
0xd: {  	[smem:$0x3FB1] =	sst s5  }
0xe: {  	[smem:$0x3FB2] =	sst s6  }
0xf: {  	[smem:$0x3FB3] =	sst s7  }
0x10: {  	[smem:$0x3FB4] =	sst s8  }
0x11: {  	[smem:$0x3FB5] =	sst s9;
	s0 =	simm.s32 @!p0 $0x0  }
0x12: {  	s1 =	sld [smem:$0x3F9B];
	s0 =	simm.s32 @p0 $0x1  }
0x13: {  	[smem:$0x3FB6] =	sst s0;
	s0 =	simm.s32 @!p1 $0x0  }
0x14: {  	s2 =	sld [smem:$0x3F9A];
	s0 =	simm.s32 @p1 $0x1  }
0x15: {  	[smem:$0x3FB7] =	sst s0;
	s0 =	simm.s32 @!p2 $0x0  }
0x16: {  	s3 =	sld [smem:$0x3FDB];
	s0 =	simm.s32 @p2 $0x1  }
0x17: {  	s4 =	simm.s32 $0x1BF5;
	[smem:$0x3FB9] =	sst s0  }
0x18: {  	s0 =	sld [smem:$0x3F9C];
	_ =	swait.ge [sflag:s4], $0x0  }
0x19: {  	s7 =	sld [smem:$0x3F9D]  }
0x1a: {  	s8 =	sadd.s32 $0xFFFFE003, lr  }
0x1b: {  	s9 =	sadd.s32 $0xFFFFFEF7, lr;
	s5 =	simm.s32 $0xFFFFFFFF;
	p2 =	slt.u32 s8, $0xFFFFF086  }
0x1c: {  	p1 =	slt.u32 s9, $0xF7A;
	s5 =	simm.s32 @!p2 $0x0  }
0x1d: {  	s5 =	simm.s32 @p1 $0x1;
	p0 =	seq.s32 s7, s2  }
0x1e: {  	s7 =	smul.u32 @!p0 $0xF7A, s2;
	p2 =	seq.s32 @!p0 s5, $0x0  }
0x1f: {  	s9 =	smul.u32 $0xF7A, s1;
	s8 =	simm.s32 @!p0 $0x1BF5;
	p2 =	por !p2, p0  }
0x20: {  	[sflag:s8] =	ssyncset.s32 @!p0 $0xFFFFF086;
	s6 =	sadd.s32 @!p0 s3, s7;
	s7 =	simm.s32 @!p0 $0x108  }
0x21: {  	s3 =	sadd.s32 s3, s9;
	s6 =	sadd.s32 @!p0 $0x88, s6;
	s7 =	simm.s32 @p2 $0x1082  }
0x22: {  	[simem:s7], [sflag:s8] =	dma.local @!p0 [hbm:s6], $0xF7A  }
0x23: {  	s9 =	sor.u32 $0xD0000000, s2;
	s6 =	simm.s32 $0x108;
	_ =	swait.ge @!p0 [sflag:s8], $0x0  }
0x24: {  	s3 =	sadd.s32 $0x88, s3;
	s6 =	simm.s32 @!p1 $0x1082;
	[sflag:s4] =	ssyncset.s32 $0xFFFFF086  }
0x25: {  	[simem:s6], [sflag:s4] =	dma.local [hbm:s3], $0xF7A  }
0x26: {  	[smem:$0x3F9D] =	sst s1;
	(tag) =	ssettag s2;
	_ =	strace s9  }
0x27: {  	s1 =	sld [smem:$0x3FAD]  }
0x28: {  	s2 =	sld [smem:$0x3FAE]  }
0x29: {  	s4 =	sld [smem:$0x3FB0]  }
0x2a: {  	p0 =	seq.s32 s5, $0x0;
	s5 =	sld [smem:$0x3FB1]  }
0x2b: {  	s6 =	sld [smem:$0x3FB2]  }
0x2c: {  	s7 =	sld [smem:$0x3FB3]  }
0x2d: {  	s3 =	simm.s32 $0x108;
	s8 =	sld [smem:$0x3FB4]  }
0x2e: {  	s3 =	simm.s32 @!p0 $0x1082;
	s9 =	sld [smem:$0x3FB5]  }
0x2f: {  	lr =	sadd.s32 s0, s3;
	s0 =	sld [smem:$0x3FAC]  }
0x30: {  	s3 =	sld [smem:$0x3FAF]  }
0x31: {  	[smem:$0x3FB8] =	sst s10  }
0x32: {  	s10 =	sld [smem:$0x3FB6];
	_ =	sdelay $0x3  }
0x33: {  	p0 =	seq.s32 s10, $0x1;
	s10 =	sld [smem:$0x3FB8];
	_ =	sdelay $0x3  }
0x34: {  	[smem:$0x3FB8] =	sst s10  }
0x35: {  	s10 =	sld [smem:$0x3FB7];
	_ =	sdelay $0x3  }
0x36: {  	p1 =	seq.s32 s10, $0x1;
	s10 =	sld [smem:$0x3FB8];
	_ =	sdelay $0x3  }
0x37: {  	[smem:$0x3FB8] =	sst s10  }
0x38: {  	s10 =	sld [smem:$0x3FB9]  }
0x39: {  	_ = 	snop;
	(pc) =	sbr.ind lr, $3  }
0x3a: {  	_ = 	snop  }
0x3b: {  	_ = 	snop  }
0x3c: {  	p2 =	seq.s32 s10, $0x1;
	s10 =	sld [smem:$0x3FB8]  }
0x3d: {  	_ =	shalt  }
0x3e: {  	_ =	shalt  }
0x3f: {  	_ =	shalt  }
0x40: {  	_ =	shalt  }
0x41: {  	_ =	shalt  }
0x42: {  	_ =	shalt  }
0x43: {  	_ =	shalt  }
0x44: {  	_ =	shalt  }
0x45: {  	_ =	shalt  }
0x46: {  	_ =	shalt  }
0x47: {  	_ =	shalt  }
0x48: {  	_ =	shalt  }
0x49: {  	_ =	shalt  }
0x4a: {  	_ =	shalt  }
0x4b: {  	_ =	shalt  }
0x4c: {  	_ =	shalt  }
0x4d: {  	_ =	shalt  }
0x4e: {  	_ =	shalt  }
0x4f: {  	_ =	shalt  }
0x50: {  	_ =	shalt  }
0x51: {  	_ =	shalt  }
0x52: {  	_ =	shalt  }
0x53: {  	_ =	shalt  }
0x54: {  	_ =	shalt  }
0x55: {  	_ =	shalt  }
0x56: {  	_ =	shalt  }
0x57: {  	_ =	shalt  }
0x58: {  	_ =	shalt  }
0x59: {  	_ =	shalt  }
0x5a: {  	_ =	shalt  }
0x5b: {  	_ =	shalt  }
0x5c: {  	_ =	shalt  }
0x5d: {  	_ =	shalt  }
0x5e: {  	_ =	shalt  }
0x5f: {  	_ =	shalt  }
0x60: {  	_ =	shalt  }
0x61: {  	_ =	shalt  }
0x62: {  	_ =	shalt  }
0x63: {  	_ =	shalt  }
0x64: {  	_ =	shalt  }
0x65: {  	_ =	shalt  }
0x66: {  	_ =	shalt  }
0x67: {  	_ =	shalt  }
0x68: {  	_ =	shalt  }
0x69: {  	_ =	shalt  }
0x6a: {  	_ =	shalt  }
0x6b: {  	_ =	shalt  }
0x6c: {  	_ =	shalt  }
0x6d: {  	_ =	shalt  }
0x6e: {  	_ =	shalt  }
0x6f: {  	_ =	shalt  }
0x70: {  	_ =	shalt  }
0x71: {  	_ =	shalt  }
0x72: {  	_ =	shalt  }
0x73: {  	_ =	shalt  }
0x74: {  	_ =	shalt  }
0x75: {  	_ =	shalt  }
0x76: {  	_ =	shalt  }
0x77: {  	_ =	shalt  }
0x78: {  	_ =	shalt  }
0x79: {  	_ =	shalt  }
0x7a: {  	_ =	shalt  }
0x7b: {  	_ =	shalt  }
0x7c: {  	_ =	shalt  }
0x7d: {  	_ =	shalt  }
0x7e: {  	_ =	shalt  }
0x7f: {  	_ =	shalt  }
0x80: {  	_ =	shalt  }
0x81: {  	_ =	shalt  }
0x82: {  	_ =	shalt  }
0x83: {  	_ =	shalt  }
0x84: {  	_ =	shalt  }
0x85: {  	_ =	shalt  }
0x86: {  	_ =	shalt  }
0x87: {  	_ =	shalt  }
.Lfunc_end0:
.L_simem_size_0:
called_computation_lowered:
.L_overlay_start_0:
0x88: {  	s2 =	sld [smem:$0x3FD9]  }
0x89: {  	s3 =	sld [smem:$0x3FFE];
	_ =	sdelay $0x1  }
0x8a: {  	s1 =	srdreg.scid  }
0x8b: {  	s0 =	sand.u32 $0x1, s1  }
0x8c: {  	s17 =	sshll.u32 s0, $0xA;
	s2 =	sadd.s32 s3, s2  }
0x8d: {  	s2 =	sadd.s32 s2, s17  }
0x8e: {  	[smem:$0x3FC4] =	sst s2  }
0x8f: {  	_ = 	snop  }
0x90: {  	s2 =	sld [smem:$0x3FD0];
	(tm) =	ssettm $0x1  }
0x91: {  	s18 =	sld [smem:$0x3FFB];
	_ =	sdelay $0x3  }
0x92: {  	_ =	strace s18  }
0x93: {  	s3 =	sld [smem:$0x3FFC];
	_ =	sdelay $0x3  }
0x94: {  	_ =	strace s3  }
0x95: {  	s3 =	sld [smem:$0x3FFD];
	_ =	sdelay $0x3  }
0x96: {  	_ =	strace s3  }
0x97: {  	_ =	strace $0x8FFFFFFF  }
0x98: {  	s19 =	sld [smem:$0x3FDB];
	_ =	sdelay $0x1  }
0x99: {  	s4 =	simm.s32 $_scs_section_size  }
0x9a: {  	s5 =	simm.s32 $_size__tile_overlayer_lowered;
	s6 =	simm.s32 $_tile_overlayer_lowered  }
0x9b: {  	s22 =	simm.s32 $0x1BFF;
	s21 =	sshll.u32 s6, $0x1;
	s3 =	sadd.s32 s4, s19  }
0x9c: {  	s7 =	simm.s32 $0x0;
	s20 =	sshll.u32 s5, $0x1;
	s5 =	sadd.s32 s21, s3  }
0x9d: {  	[timem:s7], [sflag:s22] =	dma.local [hbm:s5], s20  }
0x9e: {  	_ =	swait.ge [sflag:s22], s20  }
0x9f: {  	s4 =	ssub.s32 $0x0, s20;
	[sflag:s22] =	ssyncset.done $0x0  }
0xa0: {  	[sflag:s22] =	ssyncadd.s32 s4;
	_ =	sdelay $0x1  }
0xa1: {  	s23 =	simm.s32 $0x1B8B  }
0xa2: {  	_ =	swait.ge [sflag:s23], $0x1  }
0xa3: {  	[sflag:s23] =	ssyncset.done $0x0  }
0xa4: {  	s25 =	simm.s32 $0x1B8E;
	s24 =	sld [smem:$0x3FFE];
	[sflag:s23] =	ssyncadd.s32 $0xFFFFFFFF  }
0xa5: {  	s26 =	simm.s32 $execute0_lowered;
	[smem:$0x3FD2] =	sst s25  }
0xa6: {  	s5 =	sshll.u32 s26, $0x1;
	_ =	strace $0x80000046;
	[dreg:$0x1] =	wrdreg $0xFFFFFFFF  }
0xa7: {  	s28 =	simm.s32 $_size_execute0_lowered;
	s3 =	sadd.s32 s3, s5;
	[dreg:$0x0] =	wrdreg $0x0  }
0xa8: {  	s5 =	sshll.u32 s28, $0x1;
	[dreg:$0x2] =	wrdreg s3  }
0xa9: {  	[dreg:$0x3] =	wrdreg s5  }
0xaa: {  	[dreg:$0x4] =	wrdreg $0xC0  }
0xab: {  	_ =	task [dreg:s7], $0x5FFFF  }
0xac: {  	[dreg:$0x1] =	wrdreg $0xFFFFFFFF  }
0xad: {  	[dreg:$0x0] =	wrdreg $0x60  }
0xae: {  	[dreg:$0x2] =	wrdreg s2  }
0xaf: {  	[dreg:$0x3] =	wrdreg s24  }
0xb0: {  	[dreg:$0x4] =	wrdreg $0x4000  }
0xb1: {  	[dreg:$0x5] =	wrdreg $0x9  }
0xb2: {  	_ =	task.clear_ibuf [dreg:s7], $0x6FFFF;
	_ =	strace $0x90000046  }
0xb3: {  	s29 =	simm.s32 $0x9;
	_ =	strace $0x80000048  }
0xb4: {  	_ =	swait.ge [sflag:s29], $0x1  }
0xb5: {  	[sflag:s29] =	ssyncadd.s32 $0xFFFFFFFF  }
0xb6: {  	_ =	strace $0x90000048  }
0xb7: {  	_ =	sfence  }
0xb8: {  	s30 =	sld [smem:$0x0];
	_ =	sdelay $0x2  }
0xb9: {  	s31 =	sshll.u32 s1, $0xD;
	s1 =	sshrl.u32 s1, $0x2  }
0xba: {  	s3 =	sand.u32 $0x4000, s31;
	s1 =	sadd.s32 s1, s30  }
0xbb: {  	s0 =	sor.u32 s3, s0;
	s1 =	sshll.u32 s1, $0x11  }
0xbc: {  	s0 =	sor.u32 s1, s0  }
0xbd: {  	s0 =	sadd.s32 $0x8F2B, s0  }
0xbe: {  	[sflag:s0] =	ssyncadd.remote.s32 $0x1  }
0xbf: {  	_ =	sfence.sel $0xFFFF  }
0xc0: {  	[dreg:$0x0] =	wrdreg $0xFFFFFFFF;
	(pc) =	sbr.abs _section_cstart, $3  }
0xc1: {  	[dreg:$0x1] =	wrdreg $0xFFFFFFFF  }
0xc2: {  	_ =	task.clear_ibuf [dreg:s7], $0x2FFFF;
	_ =	strace $0x9FFFFFFF  }
0xc3: {  	(tm) =	ssettm $0x7FFFFFFF  }
tec
execute0_lowered:
.L_overlay_start_1:
0x0: {  	(tag) =	ssettag $0x1  }
0x1: {  	s2 =	srdreg.scid;
	s1 =	rddreg [dreg:$0x0]  }
0x2: {  	s0 =	stileid.u32;
	s6 =	rddreg [dreg:$0x1]  }
0x3: {  	s3 =	rddreg [dreg:$0x2];
	s4 =	simm.s32 $0x0;
	s13 =	simm.s32 $0x80  }
0x4: {  	s14 =	simm.s32 $0x50;
	s15 =	simm.s32 $0x100;
	s7 =	smul.u32 $0x280, s0  }
0x5: {  	s16 =	simm.s32 $0x1;
	s5 =	sand.u32 $0x1, s2;
	s11 =	smul.u32 $0x2710, s0  }
0x6: {  	s19 =	simm.s32 $0x0;
	[smem:$0x7FF] =	sst s4;
	s8 =	smul.u32 $0x2800, s5  }
0x7: {  	s17 =	sshll.u32 s0, $0x6;
	s2 =	sshll.u32 s5, $0x4;
	s10 =	smul.u32 $0x27100, s5  }
0x8: {  	s5 =	ssub.s32 $0x2, s5;
	s17 =	sor.u32 $0x1C02, s17;
	s9 =	sor.u32 s0, s2  }
0x9: {  	s2 =	rddreg [dreg:$0x3];
	_ =	strace $0x80000047;
	s29 =	sshrl.u32 s5, $0x1  }
0xa: {  	s9 =	smul.u32 $0x2710, s9;
	s8 =	sadd.s32 s7, s8;
	s12 =	ssub.s32 s5, s29  }
0xb: {  	s31 =	sadd.s32 s11, s10;
	s5 =	sadd.s32 s7, s3;
	s11 =	simm.s32 $0x180  }
0xc: {  	s8 =	sshrl.u32 s8, $0x3;
	s10 =	sadd.s32 $0x50, s31;
	s18 =	sshrl.u32 s5, $0x3  }
0xd: {  	s8 =	sadd.s32 s8, s6;
	s30 =	sshrl.u32 s9, $0x3;
	s10 =	sshrl.u32 s10, $0x3  }
0xe: {  	s9 =	sadd.s32 $0xA0, s31;
	s6 =	sadd.s32 s1, s30;
	s7 =	sadd.s32 $0xA00, s8  }
0xf: {  	v0 =	vimm.f32 $1.000000000e+00;
	v1 =	vimm.f32 $0.0e+00;
	s8 =	smax.u32 s12, $0x1;
	s10 =	sadd.s32 s10, s1;
	s12 =	simm.s32 $0x2  }
.LBB2_1:
0x10: {  	[tilespmem:$0x100] =	vst v0  }
0x11: {  	[tilespmem:$0x110] =	vst v0  }
0x12: {  	[tilespmem:$0x120] =	vst v0  }
0x13: {  	[tilespmem:$0x130] =	vst v0  }
0x14: {  	[tilespmem:$0x140] =	vst v0  }
0x15: {  	[tilespmem:$0x180] =	vst v1  }
0x16: {  	[tilespmem:$0x190] =	vst v1  }
0x17: {  	[tilespmem:$0x1A0] =	vst v1  }
0x18: {  	[tilespmem:$0x1B0] =	vst v1  }
0x19: {  	[tilespmem:$0x1C0] =	vst v1  }
0x1a: {  	[tilespmem:$0x1D0] =	vst v1  }
0x1b: {  	[tilespmem:$0x1E0] =	vst v1  }
0x1c: {  	[tilespmem:$0x1F0] =	vst v1  }
0x1d: {  	[tilespmem:$0x200] =	vst v1  }
0x1e: {  	[tilespmem:$0x210] =	vst v1  }
0x1f: {  	[tilespmem:$0x220] =	vst v1  }
0x20: {  	[tilespmem:$0x230] =	vst v1  }
0x21: {  	[tilespmem:$0x240] =	vst v1  }
0x22: {  	[tilespmem:$0x250] =	vst v1  }
0x23: {  	[tilespmem:$0x260] =	vst v1  }
0x24: {  	[tilespmem:$0x270] =	vst v1  }
0x25: {  	[tilespmem:$0x280] =	vst v1  }
0x26: {  	[tilespmem:$0x290] =	vst v1  }
0x27: {  	[tilespmem:$0x2A0] =	vst v1  }
0x28: {  	[tilespmem:$0x2B0] =	vst v1  }
0x29: {  	[tilespmem:$0x2C0] =	vst v1  }
0x2a: {  	[tilespmem:$0x2D0] =	vst v1  }
0x2b: {  	[tilespmem:$0x2E0] =	vst v1  }
0x2c: {  	[tilespmem:$0x2F0] =	vst v1  }
0x2d: {  	[tilespmem:$0x300] =	vst v1  }
0x2e: {  	[tilespmem:$0x310] =	vst v1  }
0x2f: {  	[tilespmem:$0x320] =	vst v1  }
0x30: {  	[tilespmem:$0x330] =	vst v1  }
0x31: {  	[tilespmem:$0x340] =	vst v1  }
0x32: {  	[tilespmem:$0x350] =	vst v1  }
0x33: {  	[tilespmem:$0x360] =	vst v1  }
0x34: {  	[tilespmem:$0x370] =	vst v1  }
0x35: {  	[tilespmem:$0x380] =	vst v1  }
0x36: {  	[tilespmem:$0x390] =	vst v1  }
0x37: {  	[tilespmem:$0x3A0] =	vst v1  }
0x38: {  	[tilespmem:$0x3B0] =	vst v1  }
0x39: {  	[tilespmem:$0x3C0] =	vst v1  }
0x3a: {  	[tilespmem:$0x3D0] =	vst v1  }
0x3b: {  	[tilespmem:$0x3E0] =	vst v1  }
0x3c: {  	[tilespmem:$0x3F0] =	vst v1  }
0x3d: {  	[spmem:s5] =	stream.linear.scatter [tilespmem:s11], [sflag:$0x2], $0x280, $0x38;
	[tilespmem:$0x680] =	vst v63  }
0x3e: {  	_ =	swait.ge [sflag:s12], $0x280  }
0x3f: {  	[sflag:s12] =	ssyncset.done $0x0  }
0x40: {  	[sflag:s12] =	ssyncadd.s32 $0xFFFFFD80  }
0x41: {  	[bflag:$0x0] =	sbarrier.arrive $0xFFFF  }
0x42: {  	[tilespmem:s4], [sflag:$0x2] =	stream.linear.gather [hbm4b:s6+s4], $0x50, $0x38;
	[tilespmem:$0x680] =	vst v63  }
0x43: {  	_ =	swait.ge [sflag:s12], $0x50  }
0x44: {  	[sflag:s12] =	ssyncset.done $0x0  }
0x45: {  	s20 =	sadd.s32 $0x0, s10;
	[sflag:s12] =	ssyncadd.s32 $0xFFFFFFB0  }
0x46: {  	[tilespmem:s13], [sflag:$0x1] =	stream.linear.gather [hbm4b:s20+s4], $0x50, $0x38;
	[tilespmem:$0x680] =	vst v63  }
0x47: {  	_ = 	snop  }
0x48: {  	[spmem:s3] =	stream.indirect.scatter.add.f32 [tilespmem:s15], [sflag:$0x2], $0x1, s4, s14, $0xb8;
	[tilespmem:$0x680] =	vst v63  }
0x49: {  	_ =	swait.ge [sflag:s12], $0x50  }
0x4a: {  	[sflag:s12] =	ssyncset.done $0x0  }
0x4b: {  	[sflag:s12] =	ssyncadd.s32 $0xFFFFFFB0  }
0x4c: {  	_ =	swait.ge [sflag:s16], $0x50  }
0x4d: {  	s31 =	sshrl.u32 s9, $0x3;
	[sflag:s16] =	ssyncset.done $0x0  }
0x4e: {  	s20 =	sadd.s32 s1, s31;
	[sflag:s16] =	ssyncadd.s32 $0xFFFFFFB0  }
0x4f: {  	[tilespmem:s4], [sflag:$0x1] =	stream.linear.gather [hbm4b:s20+s4], $0x50, $0x38;
	[tilespmem:$0x680] =	vst v63  }
0x50: {  	_ = 	snop  }
0x51: {  	[spmem:s3] =	stream.indirect.scatter.add.f32 [tilespmem:s15], [sflag:$0x2], $0x1, s13, s14, $0xb8;
	[tilespmem:$0x680] =	vst v63  }
0x52: {  	_ =	swait.ge [sflag:s12], $0x50  }
0x53: {  	[sflag:s12] =	ssyncset.done $0x0  }
0x54: {  	[sflag:s12] =	ssyncadd.s32 $0xFFFFFFB0  }
0x55: {  	s21 =	simm.s32 $0x14;
	_ =	swait.ge [sflag:s16], $0x50  }
0x56: {  	s22 =	simm.s32 $0x28;
	s20 =	sadd.s32 $0xA0, s9;
	[sflag:s16] =	ssyncset.done $0x0  }
.LBB2_2:
0x57: {  	s23 =	sadd.s32 s21, s10  }
0x58: {  	[sflag:s16] =	ssyncadd.s32 $0xFFFFFFB0;
	s21 =	smov.u32 s22;
	s24 =	sadd.s32 $0x14, s22  }
0x59: {  	[tilespmem:s13], [sflag:$0x1] =	stream.linear.gather [hbm4b:s23+s4], $0x50, $0x38;
	[tilespmem:$0x680] =	vst v63  }
0x5a: {  	p0 =	sne.s32 s22, $0x4C4  }
0x5b: {  	[spmem:s3] =	stream.indirect.scatter.add.f32 [tilespmem:s15], [sflag:$0x2], $0x1, s4, s14, $0xb8;
	[tilespmem:$0x680] =	vst v63  }
0x5c: {  	_ =	swait.ge [sflag:s12], $0x50  }
0x5d: {  	[sflag:s12] =	ssyncset.done $0x0  }
0x5e: {  	[sflag:s12] =	ssyncadd.s32 $0xFFFFFFB0  }
0x5f: {  	_ =	swait.ge [sflag:s16], $0x50  }
0x60: {  	s22 =	sshrl.u32 s20, $0x3;
	[sflag:s16] =	ssyncset.done $0x0  }
0x61: {  	s22 =	sadd.s32 s1, s22;
	[sflag:s16] =	ssyncadd.s32 $0xFFFFFFB0  }
0x62: {  	[tilespmem:s4], [sflag:$0x1] =	stream.linear.gather [hbm4b:s22+s4], $0x50, $0x38;
	[tilespmem:$0x680] =	vst v63  }
0x63: {  	_ = 	snop  }
0x64: {  	[spmem:s3] =	stream.indirect.scatter.add.f32 [tilespmem:s15], [sflag:$0x2], $0x1, s13, s14, $0xb8;
	[tilespmem:$0x680] =	vst v63  }
.Ltmp0:
0x65: {  	_ =	swait.ge [sflag:s12], $0x50;
	(pc) =	sbr.rel @p0 .LBB2_2-.Ltmp0, $4  }
0x66: {  	[sflag:s12] =	ssyncset.done $0x0  }
0x67: {  	[sflag:s12] =	ssyncadd.s32 $0xFFFFFFB0  }
0x68: {  	_ =	swait.ge [sflag:s16], $0x50  }
0x69: {  	s20 =	sadd.s32 $0xA0, s20;
	s22 =	smov.u32 s24;
	[sflag:s16] =	ssyncset.done $0x0  }
0x6a: {  	s21 =	sadd.s32 s21, s10;
	[sflag:s16] =	ssyncadd.s32 $0xFFFFFFB0  }
0x6b: {  	[tilespmem:s13], [sflag:$0x1] =	stream.linear.gather [hbm4b:s21+s4], $0x50, $0x38;
	[tilespmem:$0x680] =	vst v63  }
0x6c: {  	_ = 	snop  }
0x6d: {  	[spmem:s3] =	stream.indirect.scatter.add.f32 [tilespmem:s15], [sflag:$0x2], $0x1, s4, s14, $0xb8;
	[tilespmem:$0x680] =	vst v63  }
0x6e: {  	_ =	swait.ge [sflag:s12], $0x50  }
0x6f: {  	[sflag:s12] =	ssyncset.done $0x0  }
0x70: {  	[sflag:s12] =	ssyncadd.s32 $0xFFFFFFB0  }
0x71: {  	_ =	swait.ge [sflag:s16], $0x50  }
0x72: {  	s20 =	sshrl.u32 s20, $0x3;
	[sflag:s16] =	ssyncset.done $0x0  }
0x73: {  	s20 =	sadd.s32 s1, s20;
	[sflag:s16] =	ssyncadd.s32 $0xFFFFFFB0  }
0x74: {  	[tilespmem:s4], [sflag:$0x1] =	stream.linear.gather [hbm4b:s20+s4], $0x50, $0x38;
	[tilespmem:$0x680] =	vst v63  }
0x75: {  	_ = 	snop  }
0x76: {  	[spmem:s3] =	stream.indirect.scatter.add.f32 [tilespmem:s15], [sflag:$0x2], $0x1, s13, s14, $0xb8;
	[tilespmem:$0x680] =	vst v63  }
0x77: {  	_ =	swait.ge [sflag:s12], $0x50  }
0x78: {  	[sflag:s12] =	ssyncset.done $0x0  }
0x79: {  	[sflag:s12] =	ssyncadd.s32 $0xFFFFFFB0  }
0x7a: {  	_ =	swait.ge [sflag:s16], $0x50  }
0x7b: {  	[sflag:s16] =	ssyncset.done $0x0  }
0x7c: {  	[sflag:s16] =	ssyncadd.s32 $0xFFFFFFB0  }
0x7d: {  	[spmem:s3] =	stream.indirect.scatter.add.f32 [tilespmem:s15], [sflag:$0x2], $0x1, s4, s14, $0xb8;
	[tilespmem:$0x680] =	vst v63  }
0x7e: {  	_ =	swait.ge [sflag:s12], $0x50  }
0x7f: {  	s19 =	sadd.s32 $0x1, s19;
	[sflag:s12] =	ssyncset.done $0x0  }
0x80: {  	p0 =	sne.s32 s19, s8;
	[sflag:s12] =	ssyncadd.s32 $0xFFFFFFB0  }
.Ltmp1:
0x81: {  	[bflag:$0x0] =	sbarrier.arrive $0xFFFF;
	(pc) =	sbr.rel @p0 .LBB2_1-.Ltmp1, $4  }
0x82: {  	[hbm:s7], [sflag:s17] =	dma.local [spmem:s18], $0x50  }
0x83: {  	_ =	swait.ge [sflag:s12], $0x50  }
0x84: {  	[sflag:s12] =	ssyncset.done $0x0  }
0x85: {  	[sflag:s12] =	ssyncadd.s32 $0xFFFFFFB0  }
0x86: {  	_ =	sfence.sel $0x180000  }
0x87: {  	[bflag:$0x0] =	sbarrier.arrive $0xFFFF  }
0x88: {  	p0 =	sne.s32 s0, $0x0;
	_ =	strace $0x90000047  }
0x89: {  	s0 =	sadd.s32 @!p0 $0x100000, s2;
	[bflag:$0x2] =	sbarrier.arrive $0xFFFF  }
0x8a: {  	[sflag:s0] =	ssyncadd.tile.s32 @!p0 $0x1;
	_ =	shalt  }
.Lfunc_end2:
_tile_overlayer_lowered:
.L_overlay_start_2:
0x8b: {  	(tag) =	ssettag $0x2  }
0x8c: {  	s0 =	rddreg [dreg:$0x0];
	s2 =	stileid.u32  }
0x8d: {  	s1 =	rddreg [dreg:$0x1];
	p0 =	sne.s32 s2, $0x0  }
0x8e: {  	s3 =	rddreg [dreg:$0x2];
	[bflag:$0x3] =	sbarrier.arrive $0xFFFF;
	s2 =	simm.s32 @!p0 $0x1C02  }
0x8f: {  	[timem:s3], [sflag:s2] =	dma.local @!p0 [hbm:s0], s1  }
0x90: {  	s0 =	simm.s32 @!p0 $0x2  }
0x91: {  	_ =	swait.ge @!p0 [sflag:s0], s1  }
0x92: {  	s1 =	ssub.s32 @!p0 $0x0, s1;
	[sflag:s0] =	ssyncset.done @!p0 $0x0  }
0x93: {  	[sflag:s0] =	ssyncadd.s32 @!p0 s1  }
0x94: {  	[bflag:$0x3] =	sbarrier.arrive $0xFFFF  }
0x95: {  	_ =	shalt  }

// kernel: kernel.9.cloned.1.call-start
scs
__scs_entry_jumppad:
0x0: {  	(pc) =	sbr.rel $0x88, $3  }
0x1: {  	(tag) =	ssettag $0x0;
	lr =	simm.s32 $0x1  }
0x2: {  	[smem:$0x3F9D] =	sst lr;
	_ =	strace $0xD0000000  }
0x3: {  	_ = 	snop  }
0x4: {  	_ = 	snop  }
0x5: {  	_ = 	snop  }
0x6: {  	_ = 	snop  }
0x7: {  	_ = 	snop  }
__scs_overlays_trampoline_lowered:
0x8: {  	[smem:$0x3FAC] =	sst s0  }
0x9: {  	[smem:$0x3FAD] =	sst s1  }
0xa: {  	[smem:$0x3FAE] =	sst s2  }
0xb: {  	[smem:$0x3FAF] =	sst s3  }
0xc: {  	[smem:$0x3FB0] =	sst s4  }
0xd: {  	[smem:$0x3FB1] =	sst s5  }
0xe: {  	[smem:$0x3FB2] =	sst s6  }
0xf: {  	[smem:$0x3FB3] =	sst s7  }
0x10: {  	[smem:$0x3FB4] =	sst s8  }
0x11: {  	[smem:$0x3FB5] =	sst s9;
	s0 =	simm.s32 @!p0 $0x0  }
0x12: {  	s1 =	sld [smem:$0x3F9B];
	s0 =	simm.s32 @p0 $0x1  }
0x13: {  	[smem:$0x3FB6] =	sst s0;
	s0 =	simm.s32 @!p1 $0x0  }
0x14: {  	s2 =	sld [smem:$0x3F9A];
	s0 =	simm.s32 @p1 $0x1  }
0x15: {  	[smem:$0x3FB7] =	sst s0;
	s0 =	simm.s32 @!p2 $0x0  }
0x16: {  	s3 =	sld [smem:$0x3FDB];
	s0 =	simm.s32 @p2 $0x1  }
0x17: {  	s4 =	simm.s32 $0x1BF5;
	[smem:$0x3FB9] =	sst s0  }
0x18: {  	s0 =	sld [smem:$0x3F9C];
	_ =	swait.ge [sflag:s4], $0x0  }
0x19: {  	s7 =	sld [smem:$0x3F9D]  }
0x1a: {  	s8 =	sadd.s32 $0xFFFFE003, lr  }
0x1b: {  	s9 =	sadd.s32 $0xFFFFFEF7, lr;
	s5 =	simm.s32 $0xFFFFFFFF;
	p2 =	slt.u32 s8, $0xFFFFF086  }
0x1c: {  	p1 =	slt.u32 s9, $0xF7A;
	s5 =	simm.s32 @!p2 $0x0  }
0x1d: {  	s5 =	simm.s32 @p1 $0x1;
	p0 =	seq.s32 s7, s2  }
0x1e: {  	s7 =	smul.u32 @!p0 $0xF7A, s2;
	p2 =	seq.s32 @!p0 s5, $0x0  }
0x1f: {  	s9 =	smul.u32 $0xF7A, s1;
	s8 =	simm.s32 @!p0 $0x1BF5;
	p2 =	por !p2, p0  }
0x20: {  	[sflag:s8] =	ssyncset.s32 @!p0 $0xFFFFF086;
	s6 =	sadd.s32 @!p0 s3, s7;
	s7 =	simm.s32 @!p0 $0x108  }
0x21: {  	s3 =	sadd.s32 s3, s9;
	s6 =	sadd.s32 @!p0 $0x88, s6;
	s7 =	simm.s32 @p2 $0x1082  }
0x22: {  	[simem:s7], [sflag:s8] =	dma.local @!p0 [hbm:s6], $0xF7A  }
0x23: {  	s9 =	sor.u32 $0xD0000000, s2;
	s6 =	simm.s32 $0x108;
	_ =	swait.ge @!p0 [sflag:s8], $0x0  }
0x24: {  	s3 =	sadd.s32 $0x88, s3;
	s6 =	simm.s32 @!p1 $0x1082;
	[sflag:s4] =	ssyncset.s32 $0xFFFFF086  }
0x25: {  	[simem:s6], [sflag:s4] =	dma.local [hbm:s3], $0xF7A  }
0x26: {  	[smem:$0x3F9D] =	sst s1;
	(tag) =	ssettag s2;
	_ =	strace s9  }
0x27: {  	s1 =	sld [smem:$0x3FAD]  }
0x28: {  	s2 =	sld [smem:$0x3FAE]  }
0x29: {  	s4 =	sld [smem:$0x3FB0]  }
0x2a: {  	p0 =	seq.s32 s5, $0x0;
	s5 =	sld [smem:$0x3FB1]  }
0x2b: {  	s6 =	sld [smem:$0x3FB2]  }
0x2c: {  	s7 =	sld [smem:$0x3FB3]  }
0x2d: {  	s3 =	simm.s32 $0x108;
	s8 =	sld [smem:$0x3FB4]  }
0x2e: {  	s3 =	simm.s32 @!p0 $0x1082;
	s9 =	sld [smem:$0x3FB5]  }
0x2f: {  	lr =	sadd.s32 s0, s3;
	s0 =	sld [smem:$0x3FAC]  }
0x30: {  	s3 =	sld [smem:$0x3FAF]  }
0x31: {  	[smem:$0x3FB8] =	sst s10  }
0x32: {  	s10 =	sld [smem:$0x3FB6];
	_ =	sdelay $0x3  }
0x33: {  	p0 =	seq.s32 s10, $0x1;
	s10 =	sld [smem:$0x3FB8];
	_ =	sdelay $0x3  }
0x34: {  	[smem:$0x3FB8] =	sst s10  }
0x35: {  	s10 =	sld [smem:$0x3FB7];
	_ =	sdelay $0x3  }
0x36: {  	p1 =	seq.s32 s10, $0x1;
	s10 =	sld [smem:$0x3FB8];
	_ =	sdelay $0x3  }
0x37: {  	[smem:$0x3FB8] =	sst s10  }
0x38: {  	s10 =	sld [smem:$0x3FB9]  }
0x39: {  	_ = 	snop;
	(pc) =	sbr.ind lr, $3  }
0x3a: {  	_ = 	snop  }
0x3b: {  	_ = 	snop  }
0x3c: {  	p2 =	seq.s32 s10, $0x1;
	s10 =	sld [smem:$0x3FB8]  }
0x3d: {  	_ =	shalt  }
0x3e: {  	_ =	shalt  }
0x3f: {  	_ =	shalt  }
0x40: {  	_ =	shalt  }
0x41: {  	_ =	shalt  }
0x42: {  	_ =	shalt  }
0x43: {  	_ =	shalt  }
0x44: {  	_ =	shalt  }
0x45: {  	_ =	shalt  }
0x46: {  	_ =	shalt  }
0x47: {  	_ =	shalt  }
0x48: {  	_ =	shalt  }
0x49: {  	_ =	shalt  }
0x4a: {  	_ =	shalt  }
0x4b: {  	_ =	shalt  }
0x4c: {  	_ =	shalt  }
0x4d: {  	_ =	shalt  }
0x4e: {  	_ =	shalt  }
0x4f: {  	_ =	shalt  }
0x50: {  	_ =	shalt  }
0x51: {  	_ =	shalt  }
0x52: {  	_ =	shalt  }
0x53: {  	_ =	shalt  }
0x54: {  	_ =	shalt  }
0x55: {  	_ =	shalt  }
0x56: {  	_ =	shalt  }
0x57: {  	_ =	shalt  }
0x58: {  	_ =	shalt  }
0x59: {  	_ =	shalt  }
0x5a: {  	_ =	shalt  }
0x5b: {  	_ =	shalt  }
0x5c: {  	_ =	shalt  }
0x5d: {  	_ =	shalt  }
0x5e: {  	_ =	shalt  }
0x5f: {  	_ =	shalt  }
0x60: {  	_ =	shalt  }
0x61: {  	_ =	shalt  }
0x62: {  	_ =	shalt  }
0x63: {  	_ =	shalt  }
0x64: {  	_ =	shalt  }
0x65: {  	_ =	shalt  }
0x66: {  	_ =	shalt  }
0x67: {  	_ =	shalt  }
0x68: {  	_ =	shalt  }
0x69: {  	_ =	shalt  }
0x6a: {  	_ =	shalt  }
0x6b: {  	_ =	shalt  }
0x6c: {  	_ =	shalt  }
0x6d: {  	_ =	shalt  }
0x6e: {  	_ =	shalt  }
0x6f: {  	_ =	shalt  }
0x70: {  	_ =	shalt  }
0x71: {  	_ =	shalt  }
0x72: {  	_ =	shalt  }
0x73: {  	_ =	shalt  }
0x74: {  	_ =	shalt  }
0x75: {  	_ =	shalt  }
0x76: {  	_ =	shalt  }
0x77: {  	_ =	shalt  }
0x78: {  	_ =	shalt  }
0x79: {  	_ =	shalt  }
0x7a: {  	_ =	shalt  }
0x7b: {  	_ =	shalt  }
0x7c: {  	_ =	shalt  }
0x7d: {  	_ =	shalt  }
0x7e: {  	_ =	shalt  }
0x7f: {  	_ =	shalt  }
0x80: {  	_ =	shalt  }
0x81: {  	_ =	shalt  }
0x82: {  	_ =	shalt  }
0x83: {  	_ =	shalt  }
0x84: {  	_ =	shalt  }
0x85: {  	_ =	shalt  }
0x86: {  	_ =	shalt  }
0x87: {  	_ =	shalt  }
.Lfunc_end0:
.L_simem_size_0:
called_computation.1_lowered:
.L_overlay_start_0:
0x88: {  	s2 =	sld [smem:$0x3FD9]  }
0x89: {  	s3 =	sld [smem:$0x3FFE];
	_ =	sdelay $0x1  }
0x8a: {  	s1 =	srdreg.scid  }
0x8b: {  	s0 =	sand.u32 $0x1, s1  }
0x8c: {  	s17 =	sshll.u32 s0, $0xA;
	s2 =	sadd.s32 s3, s2  }
0x8d: {  	s2 =	sadd.s32 s2, s17  }
0x8e: {  	[smem:$0x3FC4] =	sst s2  }
0x8f: {  	_ = 	snop  }
0x90: {  	s2 =	sld [smem:$0x3FD0];
	(tm) =	ssettm $0x1  }
0x91: {  	s18 =	sld [smem:$0x3FFB];
	_ =	sdelay $0x3  }
0x92: {  	_ =	strace s18  }
0x93: {  	s3 =	sld [smem:$0x3FFC];
	_ =	sdelay $0x3  }
0x94: {  	_ =	strace s3  }
0x95: {  	s3 =	sld [smem:$0x3FFD];
	_ =	sdelay $0x3  }
0x96: {  	_ =	strace s3  }
0x97: {  	_ =	strace $0x8FFFFFFF  }
0x98: {  	s19 =	sld [smem:$0x3FDB];
	_ =	sdelay $0x1  }
0x99: {  	s4 =	simm.s32 $_scs_section_size  }
0x9a: {  	s5 =	simm.s32 $_size__tile_overlayer_lowered;
	s6 =	simm.s32 $_tile_overlayer_lowered  }
0x9b: {  	s22 =	simm.s32 $0x1BFF;
	s21 =	sshll.u32 s6, $0x1;
	s3 =	sadd.s32 s4, s19  }
0x9c: {  	s7 =	simm.s32 $0x0;
	s20 =	sshll.u32 s5, $0x1;
	s5 =	sadd.s32 s21, s3  }
0x9d: {  	[timem:s7], [sflag:s22] =	dma.local [hbm:s5], s20  }
0x9e: {  	_ =	swait.ge [sflag:s22], s20  }
0x9f: {  	s4 =	ssub.s32 $0x0, s20;
	[sflag:s22] =	ssyncset.done $0x0  }
0xa0: {  	[sflag:s22] =	ssyncadd.s32 s4;
	_ =	sdelay $0x1  }
0xa1: {  	s23 =	simm.s32 $0x1B8B  }
0xa2: {  	_ =	swait.ge [sflag:s23], $0x1  }
0xa3: {  	[sflag:s23] =	ssyncset.done $0x0  }
0xa4: {  	s25 =	simm.s32 $0x1B8E;
	s24 =	sld [smem:$0x3FFE];
	[sflag:s23] =	ssyncadd.s32 $0xFFFFFFFF  }
0xa5: {  	s26 =	simm.s32 $execute0_lowered;
	[smem:$0x3FD2] =	sst s25  }
0xa6: {  	s5 =	sshll.u32 s26, $0x1;
	_ =	strace $0x80000049;
	[dreg:$0x1] =	wrdreg $0xFFFFFFFF  }
0xa7: {  	s28 =	simm.s32 $_size_execute0_lowered;
	s3 =	sadd.s32 s3, s5;
	[dreg:$0x0] =	wrdreg $0x0  }
0xa8: {  	s5 =	sshll.u32 s28, $0x1;
	[dreg:$0x2] =	wrdreg s3  }
0xa9: {  	[dreg:$0x3] =	wrdreg s5  }
0xaa: {  	[dreg:$0x4] =	wrdreg $0xC0  }
0xab: {  	_ =	task [dreg:s7], $0x5FFFF  }
0xac: {  	[dreg:$0x1] =	wrdreg $0xFFFFFFFF  }
0xad: {  	[dreg:$0x0] =	wrdreg $0x60  }
0xae: {  	[dreg:$0x2] =	wrdreg s24  }
0xaf: {  	[dreg:$0x3] =	wrdreg s2  }
0xb0: {  	[dreg:$0x4] =	wrdreg $0x52800  }
0xb1: {  	[dreg:$0x5] =	wrdreg $0x9  }
0xb2: {  	_ =	task.clear_ibuf [dreg:s7], $0x6FFFF;
	_ =	strace $0x90000049  }
0xb3: {  	s29 =	simm.s32 $0x9;
	_ =	strace $0x8000004B  }
0xb4: {  	_ =	swait.ge [sflag:s29], $0x1  }
0xb5: {  	[sflag:s29] =	ssyncadd.s32 $0xFFFFFFFF  }
0xb6: {  	_ =	strace $0x9000004B  }
0xb7: {  	_ =	sfence  }
0xb8: {  	s30 =	sld [smem:$0x0];
	_ =	sdelay $0x2  }
0xb9: {  	s31 =	sshll.u32 s1, $0xD;
	s1 =	sshrl.u32 s1, $0x2  }
0xba: {  	s3 =	sand.u32 $0x4000, s31;
	s1 =	sadd.s32 s1, s30  }
0xbb: {  	s0 =	sor.u32 s3, s0;
	s1 =	sshll.u32 s1, $0x11  }
0xbc: {  	s0 =	sor.u32 s1, s0  }
0xbd: {  	s0 =	sadd.s32 $0x8F2B, s0  }
0xbe: {  	[sflag:s0] =	ssyncadd.remote.s32 $0x1  }
0xbf: {  	_ =	sfence.sel $0xFFFF  }
0xc0: {  	[dreg:$0x0] =	wrdreg $0xFFFFFFFF;
	(pc) =	sbr.abs _section_cstart, $3  }
0xc1: {  	[dreg:$0x1] =	wrdreg $0xFFFFFFFF  }
0xc2: {  	_ =	task.clear_ibuf [dreg:s7], $0x2FFFF;
	_ =	strace $0x9FFFFFFF  }
0xc3: {  	(tm) =	ssettm $0x7FFFFFFF  }
tec
execute0_lowered:
.L_overlay_start_1:
0x0: {  	(tag) =	ssettag $0x1  }
0x1: {  	s0 =	rddreg [dreg:$0x0]  }
0x2: {  	s1 =	rddreg [dreg:$0x1]  }
0x3: {  	s2 =	rddreg [dreg:$0x2];
	s3 =	srdreg.scid;
	s4 =	simm.s32 $0x0  }
0x4: {  	s23 =	stileid.u32;
	s19 =	simm.s32 $0x280;
	s20 =	simm.s32 $0x3  }
0x5: {  	s21 =	simm.s32 $0x50;
	s22 =	simm.s32 $0x80;
	s8 =	smul.u32 $0x14000, s23  }
0x6: {  	s28 =	simm.s32 $0x2;
	s29 =	simm.s32 $0x200;
	s11 =	smul.u32 $0x50000, s23  }
0x7: {  	s30 =	simm.s32 $0x0;
	s7 =	sand.u32 $0x1, s3;
	s31 =	smul.u32 $0x2710, s23  }
0x8: {  	[smem:$0x7FF] =	sst s4;
	s5 =	sadd.s32 $0xA00, s0;
	s6 =	smul.u32 $0x140000, s7  }
0x9: {  	s9 =	sshll.u32 s7, $0x4;
	_ =	strace $0x8000004A;
	s24 =	ssub.s32 $0x2, s7  }
0xa: {  	s14 =	smul.u32 $0x27100, s7;
	s9 =	sor.u32 s23, s9;
	s10 =	sshrl.u32 s24, $0x1  }
0xb: {  	s26 =	sshrl.u32 s11, $0x2;
	s23 =	simm.s32 $0x1;
	s6 =	sadd.s32 s8, s6  }
0xc: {  	s9 =	smul.u32 $0x2710, s9;
	s10 =	ssub.s32 s24, s10;
	s8 =	sadd.s32 s26, s2  }
0xd: {  	s24 =	simm.s32 $0x180;
	s26 =	simm.s32 $0x100;
	s6 =	sshrl.u32 s6, $0x3  }
0xe: {  	s11 =	sadd.s32 $0x5000, s8;
	s12 =	sadd.s32 $0x7800, s8;
	s13 =	sadd.s32 $0xA000, s8  }
0xf: {  	s15 =	sadd.s32 $0xF000, s8;
	s16 =	sadd.s32 $0x11800, s8;
	s0 =	sadd.s32 s6, s0  }
0x10: {  	s25 =	sshrl.u32 s9, $0x3;
	s7 =	sadd.s32 $0xA800, s0;
	s0 =	sadd.s32 s31, s14  }
0x11: {  	s9 =	smax.u32 s10, $0x1;
	s10 =	sadd.s32 $0x2800, s8;
	s17 =	sadd.s32 $0x50, s0  }
0x12: {  	s6 =	sadd.s32 s5, s25;
	s14 =	sadd.s32 $0xC800, s8;
	s17 =	sshrl.u32 s17, $0x3  }
0x13: {  	v0 =	vimm.f32 $0.0e+00;
	s25 =	simm.s32 $0x2A80;
	s0 =	sadd.s32 $0xA0, s0;
	s18 =	sadd.s32 s17, s5  }
.LBB2_1:
0x14: {  	s17 =	simm.s32 $0x70;
	s31 =	simm.s32 $0x3C0  }
.LBB2_2:
0x15: {  	p0 =	sne.s32 s31, $0x9FC0;
	[tilespmem:s17+$0x280] =	vst v0  }
0x16: {  	[tilespmem:s17+$0x210] =	vst v0  }
0x17: {  	[tilespmem:s17+$0x220] =	vst v0  }
.Ltmp0:
0x18: {  	[tilespmem:s17+$0x230] =	vst v0;
	(pc) =	sbr.rel @p0 .LBB2_2-.Ltmp0, $4  }
0x19: {  	[tilespmem:s17+$0x240] =	vst v0  }
0x1a: {  	[tilespmem:s17+$0x250] =	vst v0  }
0x1b: {  	[tilespmem:s17+$0x260] =	vst v0  }
0x1c: {  	[tilespmem:s17+$0x270] =	vst v0;
	s17 =	sshra.s32 s31, $0x2;
	s31 =	sadd.s32 $0x200, s31  }
0x1d: {  	[tilespmem:s17+$0x280] =	vst v0  }
0x1e: {  	[tilespmem:s17+$0x210] =	vst v0  }
0x1f: {  	[tilespmem:s17+$0x220] =	vst v0  }
0x20: {  	[tilespmem:s17+$0x230] =	vst v0  }
0x21: {  	[tilespmem:s17+$0x240] =	vst v0  }
0x22: {  	[tilespmem:s17+$0x250] =	vst v0  }
0x23: {  	[tilespmem:s17+$0x260] =	vst v0  }
0x24: {  	[tilespmem:s17+$0x270] =	vst v0  }
0x25: {  	[spmem:s8] =	stream.linear.scatter [tilespmem:s19], [sflag:$0x3], $0x2800, $0x38;
	[tilespmem:$0x19280] =	vst v63  }
0x26: {  	_ =	swait.ge [sflag:s20], $0x2800  }
0x27: {  	[sflag:s20] =	ssyncset.done $0x0  }
0x28: {  	[sflag:s20] =	ssyncadd.s32 $0xFFFFD800  }
0x29: {  	[spmem:s10] =	stream.linear.scatter [tilespmem:s19], [sflag:$0x3], $0x2800, $0x38;
	[tilespmem:$0x19280] =	vst v63  }
0x2a: {  	_ =	swait.ge [sflag:s20], $0x2800  }
0x2b: {  	[sflag:s20] =	ssyncset.done $0x0  }
0x2c: {  	[sflag:s20] =	ssyncadd.s32 $0xFFFFD800  }
0x2d: {  	[spmem:s11] =	stream.linear.scatter [tilespmem:s19], [sflag:$0x3], $0x2800, $0x38;
	[tilespmem:$0x19280] =	vst v63  }
0x2e: {  	_ =	swait.ge [sflag:s20], $0x2800  }
0x2f: {  	[sflag:s20] =	ssyncset.done $0x0  }
0x30: {  	[sflag:s20] =	ssyncadd.s32 $0xFFFFD800  }
0x31: {  	[spmem:s12] =	stream.linear.scatter [tilespmem:s19], [sflag:$0x3], $0x2800, $0x38;
	[tilespmem:$0x19280] =	vst v63  }
0x32: {  	_ =	swait.ge [sflag:s20], $0x2800  }
0x33: {  	[sflag:s20] =	ssyncset.done $0x0  }
0x34: {  	[sflag:s20] =	ssyncadd.s32 $0xFFFFD800  }
0x35: {  	[spmem:s13] =	stream.linear.scatter [tilespmem:s19], [sflag:$0x3], $0x2800, $0x38;
	[tilespmem:$0x19280] =	vst v63  }
0x36: {  	_ =	swait.ge [sflag:s20], $0x2800  }
0x37: {  	[sflag:s20] =	ssyncset.done $0x0  }
0x38: {  	[sflag:s20] =	ssyncadd.s32 $0xFFFFD800  }
0x39: {  	[spmem:s14] =	stream.linear.scatter [tilespmem:s19], [sflag:$0x3], $0x2800, $0x38;
	[tilespmem:$0x19280] =	vst v63  }
0x3a: {  	_ =	swait.ge [sflag:s20], $0x2800  }
0x3b: {  	[sflag:s20] =	ssyncset.done $0x0  }
0x3c: {  	[sflag:s20] =	ssyncadd.s32 $0xFFFFD800  }
0x3d: {  	[spmem:s15] =	stream.linear.scatter [tilespmem:s19], [sflag:$0x3], $0x2800, $0x38;
	[tilespmem:$0x19280] =	vst v63  }
0x3e: {  	_ =	swait.ge [sflag:s20], $0x2800  }
0x3f: {  	[sflag:s20] =	ssyncset.done $0x0  }
0x40: {  	[sflag:s20] =	ssyncadd.s32 $0xFFFFD800  }
0x41: {  	[spmem:s16] =	stream.linear.scatter [tilespmem:s19], [sflag:$0x3], $0x2800, $0x38;
	[tilespmem:$0x19280] =	vst v63  }
0x42: {  	_ =	swait.ge [sflag:s20], $0x2800  }
0x43: {  	[sflag:s20] =	ssyncset.done $0x0  }
0x44: {  	[sflag:s20] =	ssyncadd.s32 $0xFFFFD800  }
0x45: {  	s3 =	simm.s32 $0x0;
	[bflag:$0x0] =	sbarrier.arrive $0xFFFF  }
0x46: {  	[tilespmem:s3], [sflag:$0x3] =	stream.linear.gather [hbm4b:s6+s3], $0x50, $0x38;
	[tilespmem:$0x19280] =	vst v63  }
0x47: {  	_ =	swait.ge [sflag:s20], $0x50  }
0x48: {  	[sflag:s20] =	ssyncset.done $0x0  }
0x49: {  	[sflag:s20] =	ssyncadd.s32 $0xFFFFFFB0  }
0x4a: {  	v1 =	vld [tilespmem:$0x0];
	_ =	sdelay $0x1  }
0x4b: {  	v2 =	vld [tilespmem:$0x10];
	_ =	sdelay $0x1  }
0x4c: {  	v3 =	vld [tilespmem:$0x20]  }
0x4d: {  	v4 =	vshra.s32 v1, $0x10  }
0x4e: {  	v1 =	vand.u32 $0xFFFF, v1;
	[tilespmem:$0x80] =	vst v4;
	v4 =	vld [tilespmem:$0x30]  }
0x4f: {  	[tilespmem:$0x100] =	vst v1;
	v1 =	vshra.s32 v2, $0x10  }
0x50: {  	[tilespmem:$0x90] =	vst v1;
	v1 =	vand.u32 $0xFFFF, v2;
	v2 =	vld [tilespmem:$0x40]  }
0x51: {  	[tilespmem:$0x110] =	vst v1;
	v1 =	vshra.s32 v3, $0x10  }
0x52: {  	[tilespmem:$0xA0] =	vst v1;
	v1 =	vand.u32 $0xFFFF, v3  }
0x53: {  	[tilespmem:$0x120] =	vst v1;
	v1 =	vshra.s32 v4, $0x10  }
0x54: {  	[tilespmem:$0xB0] =	vst v1;
	v1 =	vand.u32 $0xFFFF, v4  }
0x55: {  	[tilespmem:$0x130] =	vst v1;
	v1 =	vshra.s32 v2, $0x10  }
0x56: {  	[tilespmem:$0xC0] =	vst v1;
	v1 =	vand.u32 $0xFFFF, v2  }
0x57: {  	[tilespmem:$0x140] =	vst v1  }
0x58: {  	[tilespmem:s19], [sflag:$0x1] =	stream.indirect.gather [hbm4b:s1+s21], $0x80, s22, s21, $0xb8;
	[tilespmem:$0x19280] =	vst v63  }
0x59: {  	_ =	swait.ge [sflag:s23], $0x2800  }
0x5a: {  	[sflag:s23] =	ssyncset.done $0x0  }
0x5b: {  	s3 =	sadd.s32 $0x0, s18;
	[sflag:s23] =	ssyncadd.s32 $0xFFFFD800  }
0x5c: {  	[tilespmem:s4], [sflag:$0x3] =	stream.linear.gather [hbm4b:s3+s4], $0x50, $0x38;
	[tilespmem:$0x19280] =	vst v63  }
0x5d: {  	_ =	swait.ge [sflag:s20], $0x50  }
0x5e: {  	[sflag:s20] =	ssyncset.done $0x0  }
0x5f: {  	[sflag:s20] =	ssyncadd.s32 $0xFFFFFFB0  }
0x60: {  	v1 =	vld [tilespmem:$0x40];
	_ =	sdelay $0x1  }
0x61: {  	v3 =	vld [tilespmem:$0x0];
	_ =	sdelay $0x1  }
0x62: {  	v2 =	vld [tilespmem:$0x30]  }
0x63: {  	v5 =	vshra.s32 v1, $0x10  }
0x64: {  	v4 =	vld [tilespmem:$0x20];
	v1 =	vand.u32 $0xFFFF, v1;
	[tilespmem:$0x1C0] =	vst v5  }
0x65: {  	v6 =	vshra.s32 v3, $0x10;
	[tilespmem:$0x240] =	vst v1  }
0x66: {  	v3 =	vand.u32 $0xFFFF, v3;
	v1 =	vld [tilespmem:$0x10];
	[tilespmem:$0x180] =	vst v6  }
0x67: {  	v5 =	vshra.s32 v2, $0x10;
	[tilespmem:$0x200] =	vst v3  }
0x68: {  	v2 =	vand.u32 $0xFFFF, v2;
	[tilespmem:$0x1B0] =	vst v5  }
0x69: {  	v3 =	vshra.s32 v4, $0x10;
	[tilespmem:$0x230] =	vst v2  }
0x6a: {  	v5 =	vand.u32 $0xFFFF, v4;
	[tilespmem:$0x1A0] =	vst v3  }
0x6b: {  	[tilespmem:$0x220] =	vst v5;
	v2 =	vand.u32 $0xFFFF, v1  }
0x6c: {  	v1 =	vshra.s32 v1, $0x10;
	[tilespmem:$0x210] =	vst v2  }
0x6d: {  	[tilespmem:$0x190] =	vst v1  }
0x6e: {  	[tilespmem:s25], [sflag:$0x2] =	stream.indirect.gather [hbm4b:s1+s21], $0x80, s24, s21, $0xb8;
	[tilespmem:$0x19280] =	vst v63  }
0x6f: {  	_ = 	snop  }
0x70: {  	[spmem:s2] =	stream.indirect.scatter.add.f32 [tilespmem:s19], [sflag:$0x3], $0x80, s26, s21, $0xb8;
	[tilespmem:$0x19280] =	vst v63  }
0x71: {  	_ =	swait.ge [sflag:s20], $0x2800  }
0x72: {  	[sflag:s20] =	ssyncset.done $0x0  }
0x73: {  	[sflag:s20] =	ssyncadd.s32 $0xFFFFD800  }
0x74: {  	_ =	swait.ge [sflag:s28], $0x2800  }
0x75: {  	s3 =	sshrl.u32 s0, $0x3;
	[sflag:s28] =	ssyncset.done $0x0  }
0x76: {  	s17 =	sadd.s32 s5, s3;
	[sflag:s28] =	ssyncadd.s32 $0xFFFFD800  }
0x77: {  	[tilespmem:s4], [sflag:$0x3] =	stream.linear.gather [hbm4b:s17+s4], $0x50, $0x38;
	[tilespmem:$0x19280] =	vst v63  }
0x78: {  	_ =	swait.ge [sflag:s20], $0x50  }
0x79: {  	[sflag:s20] =	ssyncset.done $0x0  }
0x7a: {  	[sflag:s20] =	ssyncadd.s32 $0xFFFFFFB0  }
0x7b: {  	v6 =	vld [tilespmem:$0x0];
	_ =	sdelay $0x1  }
0x7c: {  	v1 =	vld [tilespmem:$0x10]  }
0x7d: {  	v3 =	vld [tilespmem:$0x20]  }
0x7e: {  	v4 =	vld [tilespmem:$0x30]  }
0x7f: {  	s31 =	simm.s32 $0x14;
	s17 =	smov.u32 s0;
	v2 =	vld [tilespmem:$0x40];
	v5 =	vshra.s32 v6, $0x10;
	v6 =	vand.u32 $0xFFFF, v6  }
.LBB2_4:
0x80: {  	p0 =	sne.s32 s31, $0x4C4  }
0x81: {  	[tilespmem:$0x100] =	vst v6;
	s17 =	sadd.s32 $0xA0, s17;
	s3 =	smov.u32 s31;
	s31 =	sadd.s32 $0x14, s31  }
0x82: {  	[tilespmem:$0x80] =	vst v5;
	v5 =	vshra.s32 v3, $0x10;
	v3 =	vand.u32 $0xFFFF, v3  }
0x83: {  	[tilespmem:$0xA0] =	vst v5;
	v5 =	vshra.s32 v4, $0x10  }
0x84: {  	v6 =	vshra.s32 v1, $0x10;
	v4 =	vand.u32 $0xFFFF, v4;
	[tilespmem:$0xB0] =	vst v5;
	v5 =	vshra.s32 v2, $0x10  }
0x85: {  	[tilespmem:$0x130] =	vst v4  }
0x86: {  	v2 =	vand.u32 $0xFFFF, v2;
	[tilespmem:$0x90] =	vst v6  }
0x87: {  	[tilespmem:$0x140] =	vst v2  }
0x88: {  	v1 =	vand.u32 $0xFFFF, v1;
	[tilespmem:$0x120] =	vst v3  }
0x89: {  	[tilespmem:$0x110] =	vst v1  }
0x8a: {  	[tilespmem:$0xC0] =	vst v5  }
0x8b: {  	[tilespmem:s19], [sflag:$0x1] =	stream.indirect.gather [hbm4b:s1+s21], $0x80, s22, s21, $0xb8;
	[tilespmem:$0x19280] =	vst v63  }
0x8c: {  	_ = 	snop  }
0x8d: {  	[spmem:s2] =	stream.indirect.scatter.add.f32 [tilespmem:s25], [sflag:$0x3], $0x80, s29, s21, $0xb8;
	[tilespmem:$0x19280] =	vst v63  }
0x8e: {  	_ =	swait.ge [sflag:s20], $0x2800  }
0x8f: {  	[sflag:s20] =	ssyncset.done $0x0  }
0x90: {  	[sflag:s20] =	ssyncadd.s32 $0xFFFFD800  }
0x91: {  	_ =	swait.ge [sflag:s23], $0x2800  }
0x92: {  	[sflag:s23] =	ssyncset.done $0x0  }
0x93: {  	s3 =	sadd.s32 s3, s18;
	[sflag:s23] =	ssyncadd.s32 $0xFFFFD800  }
0x94: {  	[tilespmem:s4], [sflag:$0x3] =	stream.linear.gather [hbm4b:s3+s4], $0x50, $0x38;
	[tilespmem:$0x19280] =	vst v63  }
0x95: {  	_ =	swait.ge [sflag:s20], $0x50  }
0x96: {  	[sflag:s20] =	ssyncset.done $0x0  }
0x97: {  	[sflag:s20] =	ssyncadd.s32 $0xFFFFFFB0  }
0x98: {  	v1 =	vld [tilespmem:$0x40]  }
0x99: {  	v2 =	vld [tilespmem:$0x30]  }
0x9a: {  	v3 =	vld [tilespmem:$0x0]  }
0x9b: {  	v4 =	vld [tilespmem:$0x20]  }
0x9c: {  	v5 =	vld [tilespmem:$0x10]  }
0x9d: {  	v6 =	vshra.s32 v1, $0x10;
	v1 =	vand.u32 $0xFFFF, v1  }
0x9e: {  	v7 =	vshra.s32 v2, $0x10;
	v2 =	vand.u32 $0xFFFF, v2;
	[tilespmem:$0x1C0] =	vst v6  }
0x9f: {  	v6 =	vshra.s32 v3, $0x10;
	v3 =	vand.u32 $0xFFFF, v3;
	[tilespmem:$0x240] =	vst v1  }
0xa0: {  	v1 =	vshra.s32 v4, $0x10;
	v4 =	vand.u32 $0xFFFF, v4;
	[tilespmem:$0x1B0] =	vst v7  }
0xa1: {  	[tilespmem:$0x180] =	vst v6;
	v6 =	vshra.s32 v5, $0x10;
	v5 =	vand.u32 $0xFFFF, v5  }
0xa2: {  	[tilespmem:$0x220] =	vst v4  }
0xa3: {  	[tilespmem:$0x200] =	vst v3  }
0xa4: {  	[tilespmem:$0x230] =	vst v2  }
0xa5: {  	[tilespmem:$0x1A0] =	vst v1  }
0xa6: {  	[tilespmem:$0x210] =	vst v5  }
0xa7: {  	[tilespmem:$0x190] =	vst v6  }
0xa8: {  	[tilespmem:s25], [sflag:$0x2] =	stream.indirect.gather [hbm4b:s1+s21], $0x80, s24, s21, $0xb8;
	[tilespmem:$0x19280] =	vst v63  }
0xa9: {  	_ = 	snop  }
0xaa: {  	[spmem:s2] =	stream.indirect.scatter.add.f32 [tilespmem:s19], [sflag:$0x3], $0x80, s26, s21, $0xb8;
	[tilespmem:$0x19280] =	vst v63  }
0xab: {  	_ =	swait.ge [sflag:s20], $0x2800  }
0xac: {  	[sflag:s20] =	ssyncset.done $0x0  }
0xad: {  	[sflag:s20] =	ssyncadd.s32 $0xFFFFD800  }
0xae: {  	_ =	swait.ge [sflag:s28], $0x2800  }
0xaf: {  	s3 =	sshrl.u32 s17, $0x3;
	[sflag:s28] =	ssyncset.done $0x0  }
0xb0: {  	s3 =	sadd.s32 s5, s3;
	[sflag:s28] =	ssyncadd.s32 $0xFFFFD800  }
0xb1: {  	[tilespmem:s4], [sflag:$0x3] =	stream.linear.gather [hbm4b:s3+s4], $0x50, $0x38;
	[tilespmem:$0x19280] =	vst v63  }
0xb2: {  	_ =	swait.ge [sflag:s20], $0x50  }
0xb3: {  	[sflag:s20] =	ssyncset.done $0x0  }
0xb4: {  	[sflag:s20] =	ssyncadd.s32 $0xFFFFFFB0  }
0xb5: {  	v6 =	vld [tilespmem:$0x0]  }
.Ltmp1:
0xb6: {  	v1 =	vld [tilespmem:$0x10];
	(pc) =	sbr.rel @p0 .LBB2_4-.Ltmp1, $4  }
0xb7: {  	v3 =	vld [tilespmem:$0x20]  }
0xb8: {  	v4 =	vld [tilespmem:$0x30]  }
0xb9: {  	v2 =	vld [tilespmem:$0x40]  }
0xba: {  	v5 =	vshra.s32 v6, $0x10;
	v6 =	vand.u32 $0xFFFF, v6  }
0xbb: {  	[tilespmem:$0x100] =	vst v6  }
0xbc: {  	[tilespmem:$0x80] =	vst v5;
	v62 =	vshra.s32 v1, $0x10  }
0xbd: {  	v1 =	vand.u32 $0xFFFF, v1;
	[tilespmem:$0x90] =	vst v62  }
0xbe: {  	v59 =	vshra.s32 v3, $0x10;
	[tilespmem:$0x110] =	vst v1  }
0xbf: {  	v3 =	vand.u32 $0xFFFF, v3;
	[tilespmem:$0xA0] =	vst v59  }
0xc0: {  	v60 =	vshra.s32 v4, $0x10;
	[tilespmem:$0x120] =	vst v3  }
0xc1: {  	v61 =	vand.u32 $0xFFFF, v4;
	[tilespmem:$0xB0] =	vst v60  }
0xc2: {  	[tilespmem:$0x130] =	vst v61;
	v63 =	vand.u32 $0xFFFF, v2  }
0xc3: {  	v2 =	vshra.s32 v2, $0x10;
	[tilespmem:$0x140] =	vst v63  }
0xc4: {  	[tilespmem:$0xC0] =	vst v2  }
0xc5: {  	[tilespmem:s19], [sflag:$0x1] =	stream.indirect.gather [hbm4b:s1+s21], $0x80, s22, s21, $0xb8;
	[tilespmem:$0x19280] =	vst v63  }
0xc6: {  	_ = 	snop  }
0xc7: {  	[spmem:s2] =	stream.indirect.scatter.add.f32 [tilespmem:s25], [sflag:$0x3], $0x80, s29, s21, $0xb8;
	[tilespmem:$0x19280] =	vst v63  }
0xc8: {  	_ =	swait.ge [sflag:s20], $0x2800  }
0xc9: {  	[sflag:s20] =	ssyncset.done $0x0  }
0xca: {  	[sflag:s20] =	ssyncadd.s32 $0xFFFFD800  }
0xcb: {  	_ =	swait.ge [sflag:s23], $0x2800  }
0xcc: {  	[sflag:s23] =	ssyncset.done $0x0  }
0xcd: {  	[sflag:s23] =	ssyncadd.s32 $0xFFFFD800  }
0xce: {  	[spmem:s2] =	stream.indirect.scatter.add.f32 [tilespmem:s19], [sflag:$0x3], $0x80, s26, s21, $0xb8;
	[tilespmem:$0x19280] =	vst v63  }
0xcf: {  	s3 =	stileid.u32;
	_ =	swait.ge [sflag:s20], $0x2800  }
0xd0: {  	s17 =	sshrl.u32 s8, $0x3;
	s30 =	sadd.s32 $0x1, s30;
	[sflag:s20] =	ssyncset.done $0x0  }
0xd1: {  	s3 =	sshll.u32 s3, $0x6;
	p0 =	sne.s32 s30, s9;
	[sflag:s20] =	ssyncadd.s32 $0xFFFFD800  }
.Ltmp2:
0xd2: {  	s3 =	sor.u32 $0x1C03, s3;
	[bflag:$0x0] =	sbarrier.arrive $0xFFFF;
	(pc) =	sbr.rel @p0 .LBB2_1-.Ltmp2, $4  }
0xd3: {  	[hbm:s7], [sflag:s3] =	dma.local [spmem:s17], $0x2800  }
0xd4: {  	_ =	swait.ge [sflag:s20], $0x2800  }
0xd5: {  	[sflag:s20] =	ssyncset.done $0x0  }
0xd6: {  	[sflag:s20] =	ssyncadd.s32 $0xFFFFD800  }
0xd7: {  	_ =	sfence.sel $0x180000  }
0xd8: {  	[bflag:$0x0] =	sbarrier.arrive $0xFFFF  }
0xd9: {  	_ =	strace $0x9000004A  }
0xda: {  	s0 =	stileid.u32;
	[bflag:$0x2] =	sbarrier.arrive $0xFFFF  }
0xdb: {  	p0 =	sne.s32 s0, $0x0;
	s0 =	rddreg [dreg:$0x3]  }
0xdc: {  	s0 =	sadd.s32 @!p0 $0x100000, s0  }
0xdd: {  	[sflag:s0] =	ssyncadd.tile.s32 @!p0 $0x1;
	_ =	shalt  }
.Lfunc_end2:
_tile_overlayer_lowered:
.L_overlay_start_2:
0xde: {  	(tag) =	ssettag $0x2  }
0xdf: {  	s0 =	rddreg [dreg:$0x0];
	s2 =	stileid.u32  }
0xe0: {  	s1 =	rddreg [dreg:$0x1];
	p0 =	sne.s32 s2, $0x0  }
0xe1: {  	s3 =	rddreg [dreg:$0x2];
	[bflag:$0x3] =	sbarrier.arrive $0xFFFF;
	s2 =	simm.s32 @!p0 $0x1C03  }
0xe2: {  	[timem:s3], [sflag:s2] =	dma.local @!p0 [hbm:s0], s1  }
0xe3: {  	s0 =	simm.s32 @!p0 $0x3  }
0xe4: {  	_ =	swait.ge @!p0 [sflag:s0], s1  }
0xe5: {  	s1 =	ssub.s32 @!p0 $0x0, s1;
	[sflag:s0] =	ssyncset.done @!p0 $0x0  }
0xe6: {  	[sflag:s0] =	ssyncadd.s32 @!p0 s1  }
0xe7: {  	[bflag:$0x3] =	sbarrier.arrive $0xFFFF  }
0xe8: {  	_ =	shalt  }

</sc_bundles>
